<compile_context>
chip_gen: v7x
topology: tpu7x:2x2x1
jax: 0.10.2.dev20260603
libtpu: 0.0.44.dev20260713+nightly
codegen_flags: <defaults>
</compile_context>

<pallas_src>
import jax
import jax.numpy as jnp
import numpy as np
from jax import lax
from jax.experimental import pallas as pl
from jax.experimental.pallas import tpu as pltpu
from jax.experimental.pallas import tpu_sc as plsc

_N = 16
_T = 900
_K = 32
_TP = 960
_NW = 32
_PER_W = _N * _T * _K // _NW
_MARGIN = 1.001

_cand_cache = None


def _candidates():
    global _cand_cache
    if _cand_cache is None:
        u = jax.random.uniform(jax.random.key(1234), (_N, _T, _T),
                               dtype=jnp.float32)
        g = -jnp.log(-jnp.log(u + 1e-8) + 1e-8)
        gmax = jnp.max(g, axis=-1, keepdims=True)
        lid = lax.broadcasted_iota(jnp.int32, (_N, _T, _T), 2)
        skey = jnp.where(g >= gmax - _MARGIN, lid, 100000 + lid)
        negk, cidx = lax.top_k(-skey, _K)
        pad = (-negk) >= 100000
        gcand = jnp.take_along_axis(g, cidx, axis=-1)
        gcand = jnp.where(pad, -1e30, gcand)
        cidx = jnp.where(pad, 0, cidx)
        _cand_cache = (cidx, gcand, cidx.reshape(-1))
    return _cand_cache


def _sc_gather_body(m_hbm, ci_hbm, out_hbm, tbl_v, idx_v, res_v):
    c = lax.axis_index("c")
    s = lax.axis_index("s")
    w = s * 2 + c
    pltpu.sync_copy(m_hbm.at[pl.ds(s * _TP, _TP)], tbl_v)
    pltpu.sync_copy(ci_hbm.at[pl.ds(w * _PER_W, _PER_W)], idx_v)

    @pl.loop(0, _PER_W // 16)
    def step(i):
        iv = idx_v[pl.ds(i * 16, 16)]
        res_v[pl.ds(i * 16, 16)] = plsc.load_gather(tbl_v, [iv])

    pltpu.sync_copy(res_v, out_hbm.at[pl.ds(w * _PER_W, _PER_W)])


def _sc_gather(m_pad_flat, ci_flat):
    mesh = plsc.VectorSubcoreMesh(core_axis_name="c", subcore_axis_name="s")
    return pl.kernel(
        _sc_gather_body,
        out_type=jax.ShapeDtypeStruct((_NW * _PER_W,), jnp.float32),
        mesh=mesh,
        compiler_params=pltpu.CompilerParams(needs_layout_passes=False),
        scratch_types=[
            pltpu.VMEM((_TP,), jnp.float32),
            pltpu.VMEM((_PER_W,), jnp.int32),
            pltpu.VMEM((_PER_W,), jnp.float32),
        ],
    )(m_pad_flat, ci_flat)


def _tc_body(w_ref, r_ref, m_ref, mc_ref, gc_ref, ci_ref, out_ref):
    w_q = w_ref[0]
    w_k = w_ref[1]
    r_col = r_ref[0]
    q = r_col * w_q
    k = m_ref[0] * w_k
    kmax = jnp.max(k, axis=-1, keepdims=True)
    kmin = jnp.min(k, axis=-1, keepdims=True)
    row_max = jnp.maximum(q * kmax, q * kmin)
    e = jnp.exp(q * k - row_max)
    z = jnp.sum(e, axis=-1, keepdims=True)
    zinv = 1.0 / z
    kc = mc_ref[0] * w_k
    ac = jnp.exp(q * kc - row_max) * zinv
    val = ac + gc_ref[0]
    vmax = jnp.max(val, axis=-1, keepdims=True)
    sid = lax.broadcasted_iota(jnp.int32, (_T, _K), 1)
    slot = jnp.min(jnp.where(val == vmax, sid, _K), axis=-1, keepdims=True)
    win = jnp.sum(jnp.where(sid == slot, ci_ref[0], 0), axis=-1,
                  keepdims=True)
    lid = lax.broadcasted_iota(jnp.int32, (_T, _T), 1)
    onehot = (lid == win).astype(jnp.float32)
    out_ref[...] = jnp.sum(onehot * r_col, axis=0, keepdims=True)[None]


def kernel(radar_patches, dmde_out_patches, in_proj_w, in_proj_b,
           out_proj_w, out_proj_b, ln_w, ln_b, attn_residual_scale):
    Wn = radar_patches.shape[0]
    B = radar_patches.shape[1]
    r = jnp.transpose(radar_patches, (1, 0, 2, 3, 4)).reshape(_N, _T)
    m = jnp.transpose(dmde_out_patches, (1, 0, 2, 3, 4)).reshape(_N, _T)
    w = in_proj_w[0:2, 0]
    cidx, gcand, ci_flat = _candidates()

    m_pad = jnp.concatenate(
        [m, jnp.zeros((_N, _TP - _T), jnp.float32)], axis=1)
    m_cand = _sc_gather(m_pad.reshape(-1), ci_flat).reshape(_N, _T, _K)

    out = pl.pallas_call(
        _tc_body,
        grid=(_N,),
        in_specs=[
            pl.BlockSpec(memory_space=pltpu.SMEM),
            pl.BlockSpec((1, _T, 1), lambda n: (n, 0, 0)),
            pl.BlockSpec((1, 1, _T), lambda n: (n, 0, 0)),
            pl.BlockSpec((1, _T, _K), lambda n: (n, 0, 0)),
            pl.BlockSpec((1, _T, _K), lambda n: (n, 0, 0)),
            pl.BlockSpec((1, _T, _K), lambda n: (n, 0, 0)),
        ],
        out_specs=pl.BlockSpec((1, 1, _T), lambda n: (n, 0, 0)),
        out_shape=jax.ShapeDtypeStruct((_N, 1, _T), jnp.float32),
    )(w, r.reshape(_N, _T, 1), m.reshape(_N, 1, _T), m_cand, gcand, cidx)

    out_bw = out.reshape(B, Wn, _T)
    return jnp.transpose(out_bw, (0, 2, 1))[:, None, :, :]

# --- scband reference (transcript-rebuilt; emitter-appended) ---
"""Pipeline reference for scband-radar-elevation-learner-12300786336439 (READ-ONLY COPY).

The authoritative reference and input builder live on the scoring server;
editing this copy changes nothing except your own understanding.
"""

import jax, jax.numpy as jnp
import numpy as np


def setup_inputs(seed: int = 0) -> dict:
    key = jax.random.key(seed)
    k1, k2, k3, k4 = jax.random.split(key, 4)
    radar_patches = jax.random.normal(k1, (4, 4, 1, 30, 30), dtype=jnp.float32)
    dmde_out_patches = jax.random.normal(k2, (4, 4, 1, 30, 30), dtype=jnp.float32)
    E = 1
    in_proj_w = jax.random.normal(k3, (3 * E, E), dtype=jnp.float32)
    in_proj_b = jnp.zeros((3 * E,), dtype=jnp.float32)
    out_proj_w = jax.random.normal(k4, (E, E), dtype=jnp.float32)
    out_proj_b = jnp.zeros((E,), dtype=jnp.float32)
    ln_w = jnp.ones((E,), dtype=jnp.float32)
    ln_b = jnp.zeros((E,), dtype=jnp.float32)
    attn_residual_scale = jnp.asarray(1e-09, dtype=jnp.float32)
    return {"radar_patches": radar_patches, "dmde_out_patches": dmde_out_patches,
            "in_proj_w": in_proj_w, "in_proj_b": in_proj_b,
            "out_proj_w": out_proj_w, "out_proj_b": out_proj_b,
            "ln_w": ln_w, "ln_b": ln_b,
            "attn_residual_scale": attn_residual_scale}


def reference(radar_patches, dmde_out_patches, in_proj_w, in_proj_b, out_proj_w, out_proj_b, ln_w, ln_b, attn_residual_scale):
    Wn = radar_patches.shape[0]
    B = radar_patches.shape[1]
    E = 1
    radar_seq = jnp.transpose(radar_patches, (1, 0, 2, 3, 4)).reshape(B * Wn, -1, 1)
    mde_seq = jnp.transpose(dmde_out_patches, (1, 0, 2, 3, 4)).reshape(B * Wn, -1, 1)
    Wq, Wk, Wv = in_proj_w[0:E], in_proj_w[E:2 * E], in_proj_w[2 * E:3 * E]
    bq, bk, bv = in_proj_b[0:E], in_proj_b[E:2 * E], in_proj_b[2 * E:3 * E]
    q = radar_seq @ Wq.T + bq
    k = mde_seq @ Wk.T + bk
    v = mde_seq @ Wv.T + bv
    scores = jnp.einsum('nqe,nke->nqk', q, k) / jnp.sqrt(jnp.asarray(E, jnp.float32))
    attn = jax.nn.softmax(scores, axis=-1)
    ctx = jnp.einsum('nqk,nke->nqe', attn, v)
    attended = ctx @ out_proj_w.T + out_proj_b
    attention_weights = attn[:, None, :, :]
    # LayerNorm(query + attended) over last dim (size 1, eps=1e-5)
    x = radar_seq + attended
    mu = jnp.mean(x, axis=-1, keepdims=True)
    var = jnp.mean((x - mu) ** 2, axis=-1, keepdims=True)
    attended_out = (x - mu) / jnp.sqrt(var + 1e-5) * ln_w + ln_b
    radar_seq_flat = radar_seq[..., 0]
    valid_mask = radar_seq_flat != 0
    attn_mean = jnp.mean(attention_weights, axis=1)
    # Gumbel-softmax straight-through sampling (vectorized over the per-row loop;
    # invalid rows contribute 0 because src_vals is masked to zero)
    gkey = jax.random.key(1234)
    u = jax.random.uniform(gkey, attn_mean.shape, dtype=jnp.float32)
    g = -jnp.log(-jnp.log(u + 1e-8) + 1e-8)
    logits_g = (attn_mean + g) / 1.0
    p = jax.nn.softmax(logits_g, axis=-1)
    idx = jnp.argmax(p, axis=-1)
    L = attn_mean.shape[-1]
    y_hard = jax.nn.one_hot(idx, L, dtype=jnp.float32)
    y = jax.lax.stop_gradient(y_hard - p) + p
    src_vals = radar_seq_flat * valid_mask.astype(jnp.float32)
    out = jnp.einsum('ntl,nt->nl', y, src_vals)
    output_seq = out[..., None]
    valid_mask_expanded = valid_mask[..., None].astype(jnp.float32)
    attended_residual = attn_residual_scale * attended_out
    output_mask = (output_seq != 0).astype(jnp.float32)
    combined_mask = valid_mask_expanded * output_mask
    output_seq = output_seq + combined_mask * attended_residual
    output_bw = output_seq[..., 0].reshape(B, Wn, -1)
    output = jnp.transpose(output_bw, (0, 2, 1))[:, None, :, :]
    return output

if __name__ == "__main__":
    import jax
    _d = setup_inputs()
    print(jax.jit(kernel)(*tuple(_d.values())))

</pallas_src>

<mosaic_0001>
#map = affine_map<(d0, d1) -> (0)>
module attributes {stable_mosaic.version = 14 : i64} {
  func.func @_sc_gather_body(%arg0: i32, %arg1: i32, %arg2: memref<15360xf32, #tpu.memory_space<hbm>>, %arg3: memref<460800xi32, #tpu.memory_space<hbm>>, %arg4: memref<460800xf32, #tpu.memory_space<hbm>>, %arg5: memref<960xf32, #tpu.memory_space<vmem>>, %arg6: memref<14400xi32, #tpu.memory_space<vmem>>, %arg7: memref<14400xf32, #tpu.memory_space<vmem>>) attributes {dimension_semantics = [#tpu.dimension_semantics<core_parallel>, #tpu.dimension_semantics<subcore_parallel>], iteration_bounds = array<i64: 2, 16>, scalar_prefetch = 0 : i64, scratch_operands = 3 : i64, tpu.core_type = #tpu.core_type<sc_vector_subcore>, window_params = [{transform_indices = #map}, {transform_indices = #map}, {transform_indices = #map}]} {
    %mul3A = arith.constant 2 : i32
    %mul3A_0 = arith.muli %arg1, %mul3A : i32
    %add3A = arith.addi %mul3A_0, %arg0 : i32
    %mul3A_1 = arith.constant 960 : i32
    %mul3A_2 = arith.muli %arg1, %mul3A_1 : i32
    "tpu.region"() ({
      %run_scoped3A = tpu.sem_alloc : memref<!tpu.dma_semaphore, #tpu.memory_space<semaphore_mem>>
      %dma_start3A = tpu.memref_slice %arg2[%mul3A_2] : memref<15360xf32, #tpu.memory_space<hbm>> -> memref<960xf32, #tpu.memory_space<hbm>>
      %dma_start3A_11 = tpu.memref_slice %arg2[%mul3A_2] : memref<15360xf32, #tpu.memory_space<hbm>> -> memref<960xf32, #tpu.memory_space<hbm>>
      tpu.enqueue_dma source(%dma_start3A_11 : memref<960xf32, #tpu.memory_space<hbm>>) target(%arg5 : memref<960xf32, #tpu.memory_space<vmem>>) target_semaphore(%run_scoped3A : memref<!tpu.dma_semaphore, #tpu.memory_space<semaphore_mem>>)
      %dma_wait3A = tpu.memref_slice %arg2[%mul3A_2] : memref<15360xf32, #tpu.memory_space<hbm>> -> memref<960xf32, #tpu.memory_space<hbm>>
      %dma_wait3A_12 = tpu.memref_slice %arg2[%mul3A_2] : memref<15360xf32, #tpu.memory_space<hbm>> -> memref<960xf32, #tpu.memory_space<hbm>>
      tpu.wait_dma2 semaphore(%run_scoped3A : memref<!tpu.dma_semaphore, #tpu.memory_space<semaphore_mem>>) src(%dma_wait3A_12 : memref<960xf32, #tpu.memory_space<hbm>>) dst(%arg5 : memref<960xf32, #tpu.memory_space<vmem>>)
      tpu.yield
    }) : () -> ()
    %mul3A_3 = arith.constant 14400 : i32
    %mul3A_4 = arith.muli %add3A, %mul3A_3 : i32
    "tpu.region"() ({
      %run_scoped3A = tpu.sem_alloc : memref<!tpu.dma_semaphore, #tpu.memory_space<semaphore_mem>>
      %dma_start3A = tpu.memref_slice %arg3[%mul3A_4] : memref<460800xi32, #tpu.memory_space<hbm>> -> memref<14400xi32, #tpu.memory_space<hbm>>
      %dma_start3A_11 = tpu.memref_slice %arg3[%mul3A_4] : memref<460800xi32, #tpu.memory_space<hbm>> -> memref<14400xi32, #tpu.memory_space<hbm>>
      tpu.enqueue_dma source(%dma_start3A_11 : memref<14400xi32, #tpu.memory_space<hbm>>) target(%arg6 : memref<14400xi32, #tpu.memory_space<vmem>>) target_semaphore(%run_scoped3A : memref<!tpu.dma_semaphore, #tpu.memory_space<semaphore_mem>>)
      %dma_wait3A = tpu.memref_slice %arg3[%mul3A_4] : memref<460800xi32, #tpu.memory_space<hbm>> -> memref<14400xi32, #tpu.memory_space<hbm>>
      %dma_wait3A_12 = tpu.memref_slice %arg3[%mul3A_4] : memref<460800xi32, #tpu.memory_space<hbm>> -> memref<14400xi32, #tpu.memory_space<hbm>>
      tpu.wait_dma2 semaphore(%run_scoped3A : memref<!tpu.dma_semaphore, #tpu.memory_space<semaphore_mem>>) src(%dma_wait3A_12 : memref<14400xi32, #tpu.memory_space<hbm>>) dst(%arg6 : memref<14400xi32, #tpu.memory_space<vmem>>)
      tpu.yield
    }) : () -> ()
    %scan3A = arith.constant 0 : i32
    %scan3A_5 = arith.constant 900 : i32
    %scan3A_6 = arith.addi %scan3A, %scan3A_5 : i32
    %scan3A_7 = arith.constant 1 : i32
    scf.for %scan3A_11 = %scan3A to %scan3A_6 step %scan3A_7  : i32 {
      %mul3A_12 = arith.constant 1 : i32
      %mul3A_13 = arith.muli %scan3A_11, %mul3A_12 : i32
      %add3A_14 = arith.constant 0 : i32
      %add3A_15 = arith.addi %add3A_14, %mul3A_13 : i32
      %mul3A_16 = arith.constant 16 : i32
      %mul3A_17 = arith.muli %add3A_15, %mul3A_16 : i32
      %get3A = arith.index_cast %mul3A_17 : i32 to index
      %get3A_18 = tpu.vector_load %arg6[%get3A] {strides = array<i32>} : memref<14400xi32, #tpu.memory_space<vmem>>, vector<16xi32>,
      %gather3A = tpu.vector_load_idx %arg5[%get3A_18] : memref<960xf32, #tpu.memory_space<vmem>>[vector<16xi32>], vector<16xf32>,
      %mul3A_19 = arith.constant 16 : i32
      %mul3A_20 = arith.muli %add3A_15, %mul3A_19 : i32
      %swap3A = arith.index_cast %mul3A_20 : i32 to index
      %swap3A_21 = tpu.vector_load %arg7[%swap3A] {strides = array<i32>} : memref<14400xf32, #tpu.memory_space<vmem>>, vector<16xf32>,
      tpu.vector_store %arg7[%swap3A], %gather3A {strides = array<i32>} : memref<14400xf32, #tpu.memory_space<vmem>>, vector<16xf32>,
    }
    %scan3A_8 = arith.constant 900 : i32
    %mul3A_9 = arith.constant 14400 : i32
    %mul3A_10 = arith.muli %add3A, %mul3A_9 : i32
    "tpu.region"() ({
      %run_scoped3A = tpu.sem_alloc : memref<!tpu.dma_semaphore, #tpu.memory_space<semaphore_mem>>
      %dma_start3A = tpu.memref_slice %arg4[%mul3A_10] : memref<460800xf32, #tpu.memory_space<hbm>> -> memref<14400xf32, #tpu.memory_space<hbm>>
      %dma_start3A_11 = tpu.memref_slice %arg4[%mul3A_10] : memref<460800xf32, #tpu.memory_space<hbm>> -> memref<14400xf32, #tpu.memory_space<hbm>>
      tpu.enqueue_dma source(%arg7 : memref<14400xf32, #tpu.memory_space<vmem>>) target(%dma_start3A_11 : memref<14400xf32, #tpu.memory_space<hbm>>) target_semaphore(%run_scoped3A : memref<!tpu.dma_semaphore, #tpu.memory_space<semaphore_mem>>)
      %dma_wait3A = tpu.memref_slice %arg4[%mul3A_10] : memref<460800xf32, #tpu.memory_space<hbm>> -> memref<14400xf32, #tpu.memory_space<hbm>>
      %dma_wait3A_12 = tpu.memref_slice %arg4[%mul3A_10] : memref<460800xf32, #tpu.memory_space<hbm>> -> memref<14400xf32, #tpu.memory_space<hbm>>
      tpu.wait_dma2 semaphore(%run_scoped3A : memref<!tpu.dma_semaphore, #tpu.memory_space<semaphore_mem>>) src(%arg7 : memref<14400xf32, #tpu.memory_space<vmem>>) dst(%dma_wait3A_12 : memref<14400xf32, #tpu.memory_space<hbm>>)
      tpu.yield
    }) : () -> ()
    return
  }
}

module attributes {stable_mosaic.version = 14 : i64} {
  func.func @_tc_body(%arg0: i32, %arg1: memref<2xf32, #tpu.memory_space<smem>>, %arg2: memref<1x900x1xf32, #tpu.memory_space<vmem>>, %arg3: memref<1x1x900xf32, #tpu.memory_space<vmem>>, %arg4: memref<1x900x32xf32, #tpu.memory_space<vmem>>, %arg5: memref<1x900x32xf32, #tpu.memory_space<vmem>>, %arg6: memref<1x900x32xi32, #tpu.memory_space<vmem>>, %arg7: memref<1x1x900xf32, #tpu.memory_space<vmem>>) attributes {dimension_semantics = [#tpu.dimension_semantics<arbitrary>], iteration_bounds = array<i64: 16>, scalar_prefetch = 0 : i64, scratch_operands = 0 : i64, tpu.core_type = #tpu.core_type<tc>, window_params = [{transform_indices = @transform_0, window_bounds = array<i64: 2>}, {transform_indices = @transform_1, window_bounds = array<i64: 1, 900, 1>}, {transform_indices = @transform_2, window_bounds = array<i64: 1, 1, 900>}, {transform_indices = @transform_3, window_bounds = array<i64: 1, 900, 32>}, {transform_indices = @transform_4, window_bounds = array<i64: 1, 900, 32>}, {transform_indices = @transform_5, window_bounds = array<i64: 1, 900, 32>}, {transform_indices = @transform_6, window_bounds = array<i64: 1, 1, 900>}]} {
    %get3A = arith.constant 0 : index
    %get3A_0 = memref.load %arg1[%get3A] : memref<2xf32, #tpu.memory_space<smem>>
    %get3A_1 = arith.constant 1 : index
    %get3A_2 = memref.load %arg1[%get3A_1] : memref<2xf32, #tpu.memory_space<smem>>
    %get3A_3 = arith.constant 0 : index
    %get3A_4 = arith.constant 0 : index
    %get3A_5 = arith.constant 0 : index
    %get3A_6 = vector.load %arg2[%get3A_3, %get3A_4, %get3A_5] : memref<1x900x1xf32, #tpu.memory_space<vmem>>, vector<1x900x1xf32>
    %get3A_7 = vector.shape_cast %get3A_6 : vector<1x900x1xf32> to vector<900x1xf32>
    %mul3A = vector.broadcast %get3A_0 : f32 to vector<900x1xf32>
    %mul3A_8 = arith.mulf %get3A_7, %mul3A : vector<900x1xf32>
    %get3A_9 = arith.constant 0 : index
    %get3A_10 = arith.constant 0 : index
    %get3A_11 = arith.constant 0 : index
    %get3A_12 = vector.load %arg3[%get3A_9, %get3A_10, %get3A_11] : memref<1x1x900xf32, #tpu.memory_space<vmem>>, vector<1x1x900xf32>
    %get3A_13 = vector.shape_cast %get3A_12 : vector<1x1x900xf32> to vector<1x900xf32>
    %mul3A_14 = vector.broadcast %get3A_2 : f32 to vector<1x900xf32>
    %mul3A_15 = arith.mulf %get3A_13, %mul3A_14 : vector<1x900xf32>
    %reduce_max3A = arith.constant dense<0xFF800000> : vector<1xf32>
    %reduce_max3A_16 = vector.multi_reduction <maximumf>, %mul3A_15, %reduce_max3A [1] : vector<1x900xf32> to vector<1xf32>
    %broadcast_in_dim3A = vector.shape_cast %reduce_max3A_16 : vector<1xf32> to vector<1x1xf32>
    %reduce_min3A = arith.constant dense<0x7F800000> : vector<1xf32>
    %reduce_min3A_17 = vector.multi_reduction <minimumf>, %mul3A_15, %reduce_min3A [1] : vector<1x900xf32> to vector<1xf32>
    %broadcast_in_dim3A_18 = vector.shape_cast %reduce_min3A_17 : vector<1xf32> to vector<1x1xf32>
    %mul3A_19 = vector.broadcast %broadcast_in_dim3A : vector<1x1xf32> to vector<900x1xf32>
    %mul3A_20 = arith.mulf %mul3A_8, %mul3A_19 : vector<900x1xf32>
    %mul3A_21 = vector.broadcast %broadcast_in_dim3A_18 : vector<1x1xf32> to vector<900x1xf32>
    %mul3A_22 = arith.mulf %mul3A_8, %mul3A_21 : vector<900x1xf32>
    %max3A = arith.maximumf %mul3A_20, %mul3A_22 : vector<900x1xf32>
    %mul3A_23 = vector.broadcast %mul3A_8 : vector<900x1xf32> to vector<900x900xf32>
    %mul3A_24 = vector.broadcast %mul3A_15 : vector<1x900xf32> to vector<900x900xf32>
    %mul3A_25 = arith.mulf %mul3A_23, %mul3A_24 : vector<900x900xf32>
    %sub3A = vector.broadcast %max3A : vector<900x1xf32> to vector<900x900xf32>
    %sub3A_26 = arith.subf %mul3A_25, %sub3A : vector<900x900xf32>
    %exp3A = math.exp %sub3A_26 : vector<900x900xf32>
    %reduce_sum3A = arith.constant dense<0.000000e+00> : vector<900xf32>
    %reduce_sum3A_27 = vector.multi_reduction <add>, %exp3A, %reduce_sum3A [1] : vector<900x900xf32> to vector<900xf32>
    %broadcast_in_dim3A_28 = vector.shape_cast %reduce_sum3A_27 : vector<900xf32> to vector<900x1xf32>
    %div3A = arith.constant 1.000000e+00 : f32
    %div3A_29 = vector.broadcast %div3A : f32 to vector<900x1xf32>
    %div3A_30 = arith.divf %div3A_29, %broadcast_in_dim3A_28 : vector<900x1xf32>
    %get3A_31 = arith.constant 0 : index
    %get3A_32 = arith.constant 0 : index
    %get3A_33 = arith.constant 0 : index
    %get3A_34 = vector.load %arg4[%get3A_31, %get3A_32, %get3A_33] : memref<1x900x32xf32, #tpu.memory_space<vmem>>, vector<1x900x32xf32>
    %get3A_35 = vector.shape_cast %get3A_34 : vector<1x900x32xf32> to vector<900x32xf32>
    %mul3A_36 = vector.broadcast %get3A_2 : f32 to vector<900x32xf32>
    %mul3A_37 = arith.mulf %get3A_35, %mul3A_36 : vector<900x32xf32>
    %mul3A_38 = vector.broadcast %mul3A_8 : vector<900x1xf32> to vector<900x32xf32>
    %mul3A_39 = arith.mulf %mul3A_38, %mul3A_37 : vector<900x32xf32>
    %sub3A_40 = vector.broadcast %max3A : vector<900x1xf32> to vector<900x32xf32>
    %sub3A_41 = arith.subf %mul3A_39, %sub3A_40 : vector<900x32xf32>
    %exp3A_42 = math.exp %sub3A_41 : vector<900x32xf32>
    %mul3A_43 = vector.broadcast %div3A_30 : vector<900x1xf32> to vector<900x32xf32>
    %mul3A_44 = arith.mulf %exp3A_42, %mul3A_43 : vector<900x32xf32>
    %get3A_45 = arith.constant 0 : index
    %get3A_46 = arith.constant 0 : index
    %get3A_47 = arith.constant 0 : index
    %get3A_48 = vector.load %arg5[%get3A_45, %get3A_46, %get3A_47] : memref<1x900x32xf32, #tpu.memory_space<vmem>>, vector<1x900x32xf32>
    %get3A_49 = vector.shape_cast %get3A_48 : vector<1x900x32xf32> to vector<900x32xf32>
    %add3A = arith.addf %mul3A_44, %get3A_49 : vector<900x32xf32>
    %reduce_max3A_50 = arith.constant dense<0xFF800000> : vector<900xf32>
    %reduce_max3A_51 = vector.multi_reduction <maximumf>, %add3A, %reduce_max3A_50 [1] : vector<900x32xf32> to vector<900xf32>
    %broadcast_in_dim3A_52 = vector.shape_cast %reduce_max3A_51 : vector<900xf32> to vector<900x1xf32>
    %iota3A = tpu.iota {dimensions = array<i32: 1>} : vector<900x32xi32>
    %eq3A = vector.broadcast %broadcast_in_dim3A_52 : vector<900x1xf32> to vector<900x32xf32>
    %eq3A_53 = arith.cmpf oeq, %add3A, %eq3A : vector<900x32xf32>
    %jit3A = arith.constant 32 : i32
    %broadcast_in_dim3A_54 = vector.broadcast %jit3A : i32 to vector<900x32xi32>
    %select_n3A = arith.select %eq3A_53, %iota3A, %broadcast_in_dim3A_54 : vector<900x32xi1>, vector<900x32xi32>
    %reduce_min3A_55 = arith.constant dense<2147483647> : vector<900xi32>
    %reduce_min3A_56 = vector.multi_reduction <minsi>, %select_n3A, %reduce_min3A_55 [1] : vector<900x32xi32> to vector<900xi32>
    %broadcast_in_dim3A_57 = vector.shape_cast %reduce_min3A_56 : vector<900xi32> to vector<900x1xi32>
    %eq3A_58 = vector.broadcast %broadcast_in_dim3A_57 : vector<900x1xi32> to vector<900x32xi32>
    %eq3A_59 = arith.cmpi eq, %iota3A, %eq3A_58 : vector<900x32xi32>
    %get3A_60 = arith.constant 0 : index
    %get3A_61 = arith.constant 0 : index
    %get3A_62 = arith.constant 0 : index
    %get3A_63 = vector.load %arg6[%get3A_60, %get3A_61, %get3A_62] : memref<1x900x32xi32, #tpu.memory_space<vmem>>, vector<1x900x32xi32>
    %get3A_64 = vector.shape_cast %get3A_63 : vector<1x900x32xi32> to vector<900x32xi32>
    %jit3A_65 = arith.constant 0 : i32
    %broadcast_in_dim3A_66 = vector.broadcast %jit3A_65 : i32 to vector<900x32xi32>
    %select_n3A_67 = arith.select %eq3A_59, %get3A_64, %broadcast_in_dim3A_66 : vector<900x32xi1>, vector<900x32xi32>
    %reduce_sum3A_68 = arith.constant dense<0> : vector<900xi32>
    %reduce_sum3A_69 = vector.multi_reduction <add>, %select_n3A_67, %reduce_sum3A_68 [1] : vector<900x32xi32> to vector<900xi32>
    %broadcast_in_dim3A_70 = vector.shape_cast %reduce_sum3A_69 : vector<900xi32> to vector<900x1xi32>
    %iota3A_71 = tpu.iota {dimensions = array<i32: 1>} : vector<900x900xi32>
    %eq3A_72 = vector.broadcast %broadcast_in_dim3A_70 : vector<900x1xi32> to vector<900x900xi32>
    %eq3A_73 = arith.cmpi eq, %iota3A_71, %eq3A_72 : vector<900x900xi32>
    %convert_element_type3A = arith.extui %eq3A_73 : vector<900x900xi1> to vector<900x900xi32>
    %convert_element_type3A_74 = arith.sitofp %convert_element_type3A : vector<900x900xi32> to vector<900x900xf32>
    %mul3A_75 = vector.broadcast %get3A_7 : vector<900x1xf32> to vector<900x900xf32>
    %mul3A_76 = arith.mulf %convert_element_type3A_74, %mul3A_75 : vector<900x900xf32>
    %reduce_sum3A_77 = arith.constant dense<0.000000e+00> : vector<900xf32>
    %reduce_sum3A_78 = vector.multi_reduction <add>, %mul3A_76, %reduce_sum3A_77 [0] : vector<900x900xf32> to vector<900xf32>
    %broadcast_in_dim3A_79 = vector.shape_cast %reduce_sum3A_78 : vector<900xf32> to vector<1x900xf32>
    %broadcast_in_dim3A_80 = vector.shape_cast %broadcast_in_dim3A_79 : vector<1x900xf32> to vector<1x1x900xf32>
    %swap3A = arith.constant 0 : index
    %swap3A_81 = arith.constant 0 : index
    %swap3A_82 = arith.constant 0 : index
    %swap3A_83 = vector.load %arg7[%swap3A, %swap3A_81, %swap3A_82] : memref<1x1x900xf32, #tpu.memory_space<vmem>>, vector<1x1x900xf32>
    tpu.vector_store %arg7[%swap3A, %swap3A_81, %swap3A_82], %broadcast_in_dim3A_80 {strides = array<i32>} : memref<1x1x900xf32, #tpu.memory_space<vmem>>, vector<1x1x900xf32>,
    return
  }
  func.func @transform_0(%arg0: i32) -> i32 {
    %c0_i32 = arith.constant 0 : i32
    %c0_i32_0 = arith.constant 0 : i32
    return %c0_i32 : i32
  }
  func.func @transform_1(%arg0: i32) -> (i32, i32, i32) {
    %c0_i32 = arith.constant 0 : i32
    %c0_i32_0 = arith.constant 0 : i32
    %c0_i32_1 = arith.constant 0 : i32
    return %arg0, %c0_i32, %c0_i32_0 : i32, i32, i32
  }
  func.func @transform_2(%arg0: i32) -> (i32, i32, i32) {
    %c0_i32 = arith.constant 0 : i32
    %c0_i32_0 = arith.constant 0 : i32
    %c0_i32_1 = arith.constant 0 : i32
    return %arg0, %c0_i32, %c0_i32_0 : i32, i32, i32
  }
  func.func @transform_3(%arg0: i32) -> (i32, i32, i32) {
    %c0_i32 = arith.constant 0 : i32
    %c0_i32_0 = arith.constant 0 : i32
    %c0_i32_1 = arith.constant 0 : i32
    return %arg0, %c0_i32, %c0_i32_0 : i32, i32, i32
  }
  func.func @transform_4(%arg0: i32) -> (i32, i32, i32) {
    %c0_i32 = arith.constant 0 : i32
    %c0_i32_0 = arith.constant 0 : i32
    %c0_i32_1 = arith.constant 0 : i32
    return %arg0, %c0_i32, %c0_i32_0 : i32, i32, i32
  }
  func.func @transform_5(%arg0: i32) -> (i32, i32, i32) {
    %c0_i32 = arith.constant 0 : i32
    %c0_i32_0 = arith.constant 0 : i32
    %c0_i32_1 = arith.constant 0 : i32
    return %arg0, %c0_i32, %c0_i32_0 : i32, i32, i32
  }
  func.func @transform_6(%arg0: i32) -> (i32, i32, i32) {
    %c0_i32 = arith.constant 0 : i32
    %c0_i32_0 = arith.constant 0 : i32
    %c0_i32_1 = arith.constant 0 : i32
    return %arg0, %c0_i32, %c0_i32_0 : i32, i32, i32
  }
}

</mosaic_0001>

<sc_bundles>
// kernel: gather_offload_async_start
scs
__scs_entry_jumppad:
0x0: {  	(pc) =	sbr.rel $0x88, $3  }
0x1: {  	(tag) =	ssettag $0x0;
	lr =	simm.s32 $0x1  }
0x2: {  	[smem:$0x3F9E] =	sst lr;
	_ =	strace $0xD0000000  }
0x3: {  	_ = 	snop  }
0x4: {  	_ = 	snop  }
0x5: {  	_ = 	snop  }
0x6: {  	_ = 	snop  }
0x7: {  	_ = 	snop  }
__scs_overlays_trampoline_lowered:
0x8: {  	[smem:$0x3FAD] =	sst s0  }
0x9: {  	[smem:$0x3FAE] =	sst s1  }
0xa: {  	[smem:$0x3FAF] =	sst s2  }
0xb: {  	[smem:$0x3FB0] =	sst s3  }
0xc: {  	[smem:$0x3FB1] =	sst s4  }
0xd: {  	[smem:$0x3FB2] =	sst s5  }
0xe: {  	[smem:$0x3FB3] =	sst s6  }
0xf: {  	[smem:$0x3FB4] =	sst s7  }
0x10: {  	[smem:$0x3FB5] =	sst s8  }
0x11: {  	[smem:$0x3FB6] =	sst s9;
	s0 =	simm.s32 @!p0 $0x0  }
0x12: {  	s1 =	sld [smem:$0x3F9C];
	s0 =	simm.s32 @p0 $0x1  }
0x13: {  	[smem:$0x3FB7] =	sst s0;
	s0 =	simm.s32 @!p1 $0x0  }
0x14: {  	s2 =	sld [smem:$0x3F9B];
	s0 =	simm.s32 @p1 $0x1  }
0x15: {  	[smem:$0x3FB8] =	sst s0;
	s0 =	simm.s32 @!p2 $0x0  }
0x16: {  	s3 =	sld [smem:$0x3FDB];
	s0 =	simm.s32 @p2 $0x1  }
0x17: {  	s4 =	simm.s32 $0x1BF5;
	[smem:$0x3FBA] =	sst s0  }
0x18: {  	s0 =	sld [smem:$0x3F9D];
	_ =	swait.ge [sflag:s4], $0x0  }
0x19: {  	s7 =	sld [smem:$0x3F9E]  }
0x1a: {  	s8 =	sadd.s32 $0xFFFFE003, lr  }
0x1b: {  	s9 =	sadd.s32 $0xFFFFFEF7, lr;
	s5 =	simm.s32 $0xFFFFFFFF;
	p2 =	slt.u32 s8, $0xFFFFF086  }
0x1c: {  	p1 =	slt.u32 s9, $0xF7A;
	s5 =	simm.s32 @!p2 $0x0  }
0x1d: {  	s5 =	simm.s32 @p1 $0x1;
	p0 =	seq.s32 s7, s2  }
0x1e: {  	s7 =	smul.u32 @!p0 $0xF7A, s2;
	p2 =	seq.s32 @!p0 s5, $0x0  }
0x1f: {  	s9 =	smul.u32 $0xF7A, s1;
	s8 =	simm.s32 @!p0 $0x1BF5;
	p2 =	por !p2, p0  }
0x20: {  	[sflag:s8] =	ssyncset.s32 @!p0 $0xFFFFF086;
	s6 =	sadd.s32 @!p0 s3, s7;
	s7 =	simm.s32 @!p0 $0x108  }
0x21: {  	s3 =	sadd.s32 s3, s9;
	s6 =	sadd.s32 @!p0 $0x88, s6;
	s7 =	simm.s32 @p2 $0x1082  }
0x22: {  	[simem:s7], [sflag:s8] =	dma.local @!p0 [hbm:s6], $0xF7A  }
0x23: {  	s9 =	sor.u32 $0xD0000000, s2;
	s6 =	simm.s32 $0x108;
	_ =	swait.ge @!p0 [sflag:s8], $0x0  }
0x24: {  	s3 =	sadd.s32 $0x88, s3;
	s6 =	simm.s32 @!p1 $0x1082;
	[sflag:s4] =	ssyncset.s32 $0xFFFFF086  }
0x25: {  	[simem:s6], [sflag:s4] =	dma.local [hbm:s3], $0xF7A  }
0x26: {  	[smem:$0x3F9E] =	sst s1;
	(tag) =	ssettag s2;
	_ =	strace s9  }
0x27: {  	s1 =	sld [smem:$0x3FAE]  }
0x28: {  	s2 =	sld [smem:$0x3FAF]  }
0x29: {  	s4 =	sld [smem:$0x3FB1]  }
0x2a: {  	p0 =	seq.s32 s5, $0x0;
	s5 =	sld [smem:$0x3FB2]  }
0x2b: {  	s6 =	sld [smem:$0x3FB3]  }
0x2c: {  	s7 =	sld [smem:$0x3FB4]  }
0x2d: {  	s3 =	simm.s32 $0x108;
	s8 =	sld [smem:$0x3FB5]  }
0x2e: {  	s3 =	simm.s32 @!p0 $0x1082;
	s9 =	sld [smem:$0x3FB6]  }
0x2f: {  	lr =	sadd.s32 s0, s3;
	s0 =	sld [smem:$0x3FAD]  }
0x30: {  	s3 =	sld [smem:$0x3FB0]  }
0x31: {  	[smem:$0x3FB9] =	sst s10  }
0x32: {  	s10 =	sld [smem:$0x3FB7];
	_ =	sdelay $0x3  }
0x33: {  	p0 =	seq.s32 s10, $0x1;
	s10 =	sld [smem:$0x3FB9];
	_ =	sdelay $0x3  }
0x34: {  	[smem:$0x3FB9] =	sst s10  }
0x35: {  	s10 =	sld [smem:$0x3FB8];
	_ =	sdelay $0x3  }
0x36: {  	p1 =	seq.s32 s10, $0x1;
	s10 =	sld [smem:$0x3FB9];
	_ =	sdelay $0x3  }
0x37: {  	[smem:$0x3FB9] =	sst s10  }
0x38: {  	s10 =	sld [smem:$0x3FBA]  }
0x39: {  	_ = 	snop;
	(pc) =	sbr.ind lr, $3  }
0x3a: {  	_ = 	snop  }
0x3b: {  	_ = 	snop  }
0x3c: {  	p2 =	seq.s32 s10, $0x1;
	s10 =	sld [smem:$0x3FB9]  }
0x3d: {  	_ =	shalt  }
0x3e: {  	_ =	shalt  }
0x3f: {  	_ =	shalt  }
0x40: {  	_ =	shalt  }
0x41: {  	_ =	shalt  }
0x42: {  	_ =	shalt  }
0x43: {  	_ =	shalt  }
0x44: {  	_ =	shalt  }
0x45: {  	_ =	shalt  }
0x46: {  	_ =	shalt  }
0x47: {  	_ =	shalt  }
0x48: {  	_ =	shalt  }
0x49: {  	_ =	shalt  }
0x4a: {  	_ =	shalt  }
0x4b: {  	_ =	shalt  }
0x4c: {  	_ =	shalt  }
0x4d: {  	_ =	shalt  }
0x4e: {  	_ =	shalt  }
0x4f: {  	_ =	shalt  }
0x50: {  	_ =	shalt  }
0x51: {  	_ =	shalt  }
0x52: {  	_ =	shalt  }
0x53: {  	_ =	shalt  }
0x54: {  	_ =	shalt  }
0x55: {  	_ =	shalt  }
0x56: {  	_ =	shalt  }
0x57: {  	_ =	shalt  }
0x58: {  	_ =	shalt  }
0x59: {  	_ =	shalt  }
0x5a: {  	_ =	shalt  }
0x5b: {  	_ =	shalt  }
0x5c: {  	_ =	shalt  }
0x5d: {  	_ =	shalt  }
0x5e: {  	_ =	shalt  }
0x5f: {  	_ =	shalt  }
0x60: {  	_ =	shalt  }
0x61: {  	_ =	shalt  }
0x62: {  	_ =	shalt  }
0x63: {  	_ =	shalt  }
0x64: {  	_ =	shalt  }
0x65: {  	_ =	shalt  }
0x66: {  	_ =	shalt  }
0x67: {  	_ =	shalt  }
0x68: {  	_ =	shalt  }
0x69: {  	_ =	shalt  }
0x6a: {  	_ =	shalt  }
0x6b: {  	_ =	shalt  }
0x6c: {  	_ =	shalt  }
0x6d: {  	_ =	shalt  }
0x6e: {  	_ =	shalt  }
0x6f: {  	_ =	shalt  }
0x70: {  	_ =	shalt  }
0x71: {  	_ =	shalt  }
0x72: {  	_ =	shalt  }
0x73: {  	_ =	shalt  }
0x74: {  	_ =	shalt  }
0x75: {  	_ =	shalt  }
0x76: {  	_ =	shalt  }
0x77: {  	_ =	shalt  }
0x78: {  	_ =	shalt  }
0x79: {  	_ =	shalt  }
0x7a: {  	_ =	shalt  }
0x7b: {  	_ =	shalt  }
0x7c: {  	_ =	shalt  }
0x7d: {  	_ =	shalt  }
0x7e: {  	_ =	shalt  }
0x7f: {  	_ =	shalt  }
0x80: {  	_ =	shalt  }
0x81: {  	_ =	shalt  }
0x82: {  	_ =	shalt  }
0x83: {  	_ =	shalt  }
0x84: {  	_ =	shalt  }
0x85: {  	_ =	shalt  }
0x86: {  	_ =	shalt  }
0x87: {  	_ =	shalt  }
.Lfunc_end0:
.L_simem_size_0:
called_computation.1_lowered:
.L_overlay_start_0:
0x88: {  	s2 =	sld [smem:$0x3FD9]  }
0x89: {  	s3 =	sld [smem:$0x3FFE];
	_ =	sdelay $0x1  }
0x8a: {  	s1 =	srdreg.scid  }
0x8b: {  	s0 =	sand.u32 $0x1, s1  }
0x8c: {  	s16 =	sshll.u32 s0, $0xA;
	s2 =	sadd.s32 s3, s2  }
0x8d: {  	s2 =	sadd.s32 s2, s16  }
0x8e: {  	[smem:$0x3FC5] =	sst s2  }
0x8f: {  	_ = 	snop  }
0x90: {  	(tm) =	ssettm $0x1  }
0x91: {  	s17 =	sld [smem:$0x3FFB];
	_ =	sdelay $0x3  }
0x92: {  	_ =	strace s17  }
0x93: {  	s2 =	sld [smem:$0x3FFC];
	_ =	sdelay $0x3  }
0x94: {  	_ =	strace s2  }
0x95: {  	s2 =	sld [smem:$0x3FFD];
	_ =	sdelay $0x3  }
0x96: {  	_ =	strace s2  }
0x97: {  	_ =	strace $0x8FFFFFFF  }
0x98: {  	s18 =	sld [smem:$0x3FDB];
	_ =	sdelay $0x1  }
0x99: {  	s19 =	simm.s32 $_scs_section_size  }
0x9a: {  	s4 =	simm.s32 $_size__tile_overlayer_lowered;
	s5 =	simm.s32 $_tile_overlayer_lowered  }
0x9b: {  	s22 =	simm.s32 $0x1BFF;
	s21 =	sshll.u32 s5, $0x1;
	s2 =	sadd.s32 s19, s18  }
0x9c: {  	s6 =	simm.s32 $0x0;
	s20 =	sshll.u32 s4, $0x1;
	s4 =	sadd.s32 s21, s2  }
0x9d: {  	[timem:s6], [sflag:s22] =	dma.local [hbm:s4], s20  }
0x9e: {  	_ =	swait.ge [sflag:s22], s20  }
0x9f: {  	s3 =	ssub.s32 $0x0, s20;
	[sflag:s22] =	ssyncset.done $0x0  }
0xa0: {  	[sflag:s22] =	ssyncadd.s32 s3;
	_ =	sdelay $0x1  }
0xa1: {  	s23 =	simm.s32 $0x1B8B  }
0xa2: {  	_ =	swait.ge [sflag:s23], $0x1  }
0xa3: {  	[sflag:s23] =	ssyncset.done $0x0  }
0xa4: {  	s25 =	simm.s32 $0x1B8E;
	s24 =	sld [smem:$0x3FFE];
	[sflag:s23] =	ssyncadd.s32 $0xFFFFFFFF  }
0xa5: {  	s26 =	simm.s32 $execute0_lowered;
	[smem:$0x3FD2] =	sst s25  }
0xa6: {  	s4 =	sshll.u32 s26, $0x1;
	_ =	strace $0x80000049;
	[dreg:$0x1] =	wrdreg $0xFFFFFFFF  }
0xa7: {  	s28 =	simm.s32 $_size_execute0_lowered;
	s2 =	sadd.s32 s2, s4;
	[dreg:$0x0] =	wrdreg $0x0  }
0xa8: {  	s4 =	sshll.u32 s28, $0x1;
	[dreg:$0x2] =	wrdreg s2  }
0xa9: {  	[dreg:$0x3] =	wrdreg s4  }
0xaa: {  	[dreg:$0x4] =	wrdreg $0xC0  }
0xab: {  	_ =	task [dreg:s6], $0x5FFFF  }
0xac: {  	[dreg:$0x1] =	wrdreg $0xFFFFFFFF  }
0xad: {  	[dreg:$0x0] =	wrdreg $0x60  }
0xae: {  	[dreg:$0x2] =	wrdreg s24  }
0xaf: {  	[dreg:$0x3] =	wrdreg $0x9  }
0xb0: {  	_ =	task.clear_ibuf [dreg:s6], $0x4FFFF;
	_ =	strace $0x90000049  }
0xb1: {  	s29 =	simm.s32 $0x9;
	_ =	strace $0x8000004B  }
0xb2: {  	_ =	swait.ge [sflag:s29], $0x1  }
0xb3: {  	[sflag:s29] =	ssyncadd.s32 $0xFFFFFFFF  }
0xb4: {  	_ =	strace $0x9000004B  }
0xb5: {  	_ =	sfence  }
0xb6: {  	s30 =	sld [smem:$0x0];
	_ =	sdelay $0x2  }
0xb7: {  	s31 =	sshll.u32 s1, $0xD;
	s1 =	sshrl.u32 s1, $0x2  }
0xb8: {  	s3 =	sand.u32 $0x4000, s31;
	s1 =	sadd.s32 s1, s30  }
0xb9: {  	s0 =	sor.u32 s3, s0;
	s1 =	sshll.u32 s1, $0x11  }
0xba: {  	s0 =	sor.u32 s1, s0  }
0xbb: {  	s0 =	sadd.s32 $0x8F2B, s0  }
0xbc: {  	[sflag:s0] =	ssyncadd.remote.s32 $0x1  }
0xbd: {  	_ =	sfence.sel $0xFFFF  }
0xbe: {  	[dreg:$0x0] =	wrdreg $0xFFFFFFFF;
	(pc) =	sbr.abs _section_cstart, $3  }
0xbf: {  	[dreg:$0x1] =	wrdreg $0xFFFFFFFF  }
0xc0: {  	_ =	task.clear_ibuf [dreg:s6], $0x2FFFF;
	_ =	strace $0x9FFFFFFF  }
0xc1: {  	(tm) =	ssettm $0x7FFFFFFF  }
tec
execute0_lowered:
.L_overlay_start_1:
0x0: {  	(tag) =	ssettag $0x1  }
0x1: {  	s8 =	rddreg [dreg:$0x0];
	s1 =	stileid.u32  }
0x2: {  	s2 =	srdreg.scid;
	s0 =	rddreg [dreg:$0x1]  }
0x3: {  	_ =	strace $0x8000004A;
	s5 =	simm.s32 $0x1;
	s9 =	simm.s32 $0x1  }
0x4: {  	s10 =	simm.s32 $0x3;
	s2 =	sand.u32 $0x1, s2;
	s3 =	sshll.u32 s1, $0x1  }
0x5: {  	s13 =	simm.s32 $0x0;
	s12 =	simm.s32 $0x0;
	s6 =	sor.u32 s3, s2  }
0x6: {  	[sflag:s5] =	ssyncpa.u1 $0x0;
	s2 =	sadd.s32 $0x600, s8;
	s4 =	smul.u32 $0x3200, s6  }
0x7: {  	s3 =	sadd.s32 $0x1C4600, s8;
	p0 =	slt.u32 s6, $0x5;
	s6 =	simm.s32 $0x64000  }
.Ltmp0:
0x8: {  	s6 =	simm.s32 @!p0 $0x0;
	s7 =	ssub.s32 $0x70800, s4;
	(pc) =	sbr.rel .LBB2_1-.Ltmp0, $4  }
0x9: {  	s9 =	simm.s32 @!p0 $0x0;
	p0 =	sne.s32 s7, s6;
	s7 =	simm.s32 $0x1  }
0xa: {  	s8 =	sadd.s32 $0x1D2800, s8;
	s6 =	simm.s32 $0x2;
	s7 =	simm.s32 @!p0 $0x0  }
0xb: {  	s11 =	smov.u32 s4;
	[sflag:s6] =	ssyncpa.u1 $0x0;
	s7 =	sadd.s32 s9, s7  }
0xc: {  	vm0 =	vmmov $0xffff;
	[sflag:s10] =	ssyncpa.u1 $0x0;
	s10 =	simm.s32 $0x0;
	s9 =	sadd.s32 $0x1, s7  }
.LBB2_4:
0xd: {  	v5 =	vand.u32 $0x7F, v4;
	v3 =	vsel vm1, $0xFFF1E000, v3;
	v6 =	vshll.u32 v2, $0xA  }
0xe: {  	vm1 =	vmmov vm2;
	v56 =	vshll.u32 v4, $0x3;
	v57 =	vshll.u32 v2, $0x7  }
0xf: {  	v58 =	vand.u32 $0xF, v1;
	v59 =	vshrl.u32 v1, $0x4;
	v60 =	vshrl.u32 v1, $0xE  }
0x10: {  	v6 =	vand.u32 $0xFFFFE000, v6;
	v3 =	vor.u32 v3, v5;
	v4 =	vand.u32 $0xFFFFFC00, v56  }
0x11: {  	v1 =	vand.u32 $0x3FF, v60;
	v5 =	vmul.u32 $0xE2000, v58;
	v3 =	vadd.s32 v6, v3  }
0x12: {  	v1 =	vsel vm1, $0xFFFFFFFF, v1;
	v3 =	vadd.s32 v4, v3;
	v4 =	vand.u32 $0x3FF, v59  }
0x13: {  	v2 =	vand.u32 $0x380, v57;
	v62 =	vand.u32 $0x7F, v1;
	v61 =	vsel vm1, $0xFFFFFFFF, v4  }
0x14: {  	v5 =	vsel vm1, $0xFFF1E000, v5;
	v1 =	vshll.u32 v1, $0x3;
	v63 =	vshll.u32 v61, $0xA  }
0x15: {  	v2 =	vor.u32 v2, v3;
	v4 =	vor.u32 v5, v62;
	v6 =	vand.u32 $0xFFFFE000, v63  }
0x16: {  	v1 =	vand.u32 $0xFFFFFC00, v1;
	v3 =	vshll.u32 v61, $0x7;
	v4 =	vadd.s32 v6, v4  }
0x17: {  	v3 =	vand.u32 $0x380, v3;
	v1 =	vadd.s32 v1, v4  }
0x18: {  	(ifvalue) =	ssetifvalue $0x7FFFFFFF;
	s15 =	sadd.s32 $0x10, s15;
	v1 =	vor.u32 v3, v1  }
0x19: {  	[tilespmem:s15], [sflag:$0x1] =	stream.indirect_vreg.gather [hbm4b:s2+s10], $0x1, v0, vm0, $0x4038;
	[tilespmem:$0xC800] =	vst v63  }
0x1a: {  	(ifvalue) =	ssetifvalue $0x7FFFFFFF;
	s15 =	sadd.s32 $0x10, s15  }
0x1b: {  	[tilespmem:s15], [sflag:$0x1] =	stream.indirect_vreg.gather [hbm4b:s2+s10], $0x1, v2, vm0, $0x4038;
	[tilespmem:$0xC800] =	vst v63  }
0x1c: {  	(ifvalue) =	ssetifvalue $0x7FFFFFFF;
	s15 =	sadd.s32 $0x10, s15  }
0x1d: {  	[tilespmem:s15], [sflag:$0x1] =	stream.indirect_vreg.gather [hbm4b:s2+s10], $0x1, v1, vm0, $0x4038;
	[tilespmem:$0xC800] =	vst v63  }
0x1e: {  	_ =	swait.ge [sflag:s5], $0x3200  }
0x1f: {  	s30 =	sshrl.u32 s13, $0x3;
	[sflag:s5] =	ssyncset.done $0x0  }
0x20: {  	s31 =	sand.u32 $0x7, s13;
	s15 =	sadd.s32 s8, s30;
	[sflag:s5] =	ssyncadd.s32 $0xFFFFCE00  }
0x21: {  	[hbm4b:s15+s31] =	stream.linear.scatter [tilespmem:s14], [sflag:$0x3], $0x3200, $0x38;
	[tilespmem:$0xC800] =	vst v63  }
.LBB2_5:
0x22: {  	s15 =	sadd.s32 $0x64000, s11  }
0x23: {  	p1 =	sgt.s32 s15, $0x707FF  }
0x24: {  	s15 =	smov.u32 @p1 s4;
	p1 =	sne.s32 s12, s9  }
.Ltmp1:
0x25: {  	p0 =	slt.u32 s12, $0x2;
	(pc) =	sbr.rel @!p1 .LBB2_6-.Ltmp1, $4  }
0x26: {  	s14 =	simm.s32 @!p0 $0x3  }
0x27: {  	_ =	swait.ge @!p0 [sflag:s14], $0x3200  }
0x28: {  	s16 =	sadd.s32 $0x1, s12;
	s13 =	smov.u32 s11;
	[sflag:s14] =	ssyncset.done @!p0 $0x0  }
0x29: {  	s12 =	smov.u32 s16;
	s11 =	smov.u32 s15;
	[sflag:s14] =	ssyncadd.s32 @!p0 $0xFFFFCE00  }
.LBB2_1:
0x2a: {  	p0 =	sge.u32 s12, s7  }
0x2b: {  	s14 =	sxor.u32 @!p0 $0x1, s12  }
0x2c: {  	s14 =	smul.u32 @!p0 $0xC800, s14  }
0x2d: {  	s31 =	sadd.s32 $0xFFFFFFFF, s12;
	s15 =	sshrl.u32 @!p0 s11, $0x3  }
0x2e: {  	s16 =	sand.u32 @!p0 $0x7, s11;
	s15 =	sadd.s32 @!p0 s3, s15;
	s14 =	sshra.s32 @!p0 s14, $0x2  }
0x2f: {  	[tilespmem:s14], [sflag:$0x2] =	stream.linear.gather @!p0 [hbm4b:s15+s16], $0x3200, $0x38;
	[tilespmem:$0xC800] =	vst v63  }
0x30: {  	p0 =	sge.u32 s31, s7  }
.Ltmp2:
0x31: {  	_ = 	snop;
	(pc) =	sbr.rel @p0 .LBB2_5-.Ltmp2, $1  }
0x32: {  	_ =	sdelay $0x3  }
0x33: {  	s14 =	sand.u32 $0x1, s12  }
0x34: {  	_ =	swait.ge [sflag:s6], $0x3200;
	p0 =	seq.s32 s14, $0x1;
	s14 =	simm.s32 $0x3200  }
0x35: {  	[sflag:s6] =	ssyncset.done $0x0;
	s14 =	simm.s32 @!p0 $0x0  }
0x36: {  	[sflag:s6] =	ssyncadd.s32 $0xFFFFCE00;
	(ifvalue) =	ssetifvalue $0x7FFFFFFF;
	v0 =	vld.msk [tilespmem:s14+$0x0 ss:$0x1], $0xffff;
	_ =	sdelay $0x1  }
0x37: {  	s15 =	sadd.s32 $0x10, s14  }
0x38: {  	v1 =	vld.msk [tilespmem:s15+$0x0 ss:$0x1], $0xffff;
	_ =	sdelay $0x1  }
0x39: {  	vm1 =	veq.s32 v0, $0x80000000  }
0x3a: {  	v2 =	vand.u32 $0xF, v0;
	v3 =	vshrl.u32 v0, $0xE;
	v0 =	vshrl.u32 v0, $0x4  }
0x3b: {  	vm1 =	vmmov vm1;
	v3 =	vand.u32 $0x3FF, v3;
	v2 =	vmul.u32 $0xE2000, v2  }
0x3c: {  	v0 =	vand.u32 $0x3FF, v0;
	vm2 =	veq.s32 v1, $0x80000000;
	v3 =	vsel vm1, $0xFFFFFFFF, v3  }
0x3d: {  	v0 =	vsel vm1, $0xFFFFFFFF, v0;
	v4 =	vand.u32 $0x7F, v3;
	v2 =	vsel vm1, $0xFFF1E000, v2  }
0x3e: {  	s15 =	sadd.s32 $0x10, s15;
	v5 =	vshll.u32 v0, $0xA;
	vm1 =	vmmov vm2;
	v3 =	vshll.u32 v3, $0x3  }
0x3f: {  	v6 =	vld.msk [tilespmem:s15+$0x0 ss:$0x1], $0xffff;
	v0 =	vshll.u32 v0, $0x7;
	v5 =	vand.u32 $0xFFFFE000, v5;
	v2 =	vor.u32 v2, v4  }
0x40: {  	v3 =	vand.u32 $0xFFFFFC00, v3;
	v4 =	vand.u32 $0xF, v1;
	v2 =	vadd.s32 v5, v2  }
0x41: {  	v0 =	vand.u32 $0x380, v0;
	v2 =	vadd.s32 v3, v2;
	v3 =	vshrl.u32 v1, $0xE  }
0x42: {  	v1 =	vshrl.u32 v1, $0x4;
	v0 =	vor.u32 v0, v2;
	v2 =	vand.u32 $0x3FF, v3  }
0x43: {  	v1 =	vand.u32 $0x3FF, v1;
	v3 =	vmul.u32 $0xE2000, v4;
	v2 =	vsel vm1, $0xFFFFFFFF, v2  }
0x44: {  	vm2 =	veq.s32 v6, $0x80000000;
	v4 =	vsel vm1, $0xFFFFFFFF, v1;
	v5 =	vand.u32 $0x7F, v2  }
0x45: {  	s15 =	sadd.s32 $0x10, s15;
	v3 =	vsel vm1, $0xFFF1E000, v3;
	v7 =	vshll.u32 v4, $0xA;
	vm1 =	vmmov vm2  }
0x46: {  	v1 =	vld.msk [tilespmem:s15+$0x0 ss:$0x1], $0xffff;
	v2 =	vshll.u32 v2, $0x3;
	v7 =	vand.u32 $0xFFFFE000, v7;
	v3 =	vor.u32 v3, v5  }
0x47: {  	v4 =	vshll.u32 v4, $0x7;
	v2 =	vand.u32 $0xFFFFFC00, v2;
	v3 =	vadd.s32 v7, v3  }
0x48: {  	s14 =	sadd.s32 $0x6400, s14;
	(ifvalue) =	ssetifvalue $0x7FFFFFFF;
	v5 =	vand.u32 $0xF, v6;
	v4 =	vand.u32 $0x380, v4;
	v2 =	vadd.s32 v2, v3  }
0x49: {  	[tilespmem:s14], [sflag:$0x1] =	stream.indirect_vreg.gather [hbm4b:s2+s10], $0x1, v0, vm0, $0x4038;
	v3 =	vshrl.u32 v6, $0x4;
	v6 =	vshrl.u32 v6, $0xE;
	v0 =	vor.u32 v4, v2;
	[tilespmem:$0xC800] =	vst v63  }
0x4a: {  	v2 =	vand.u32 $0x3FF, v3;
	v4 =	vand.u32 $0x3FF, v6;
	v3 =	vmul.u32 $0xE2000, v5  }
0x4b: {  	s16 =	simm.s32 $0x30;
	s17 =	sadd.s32 $0x10, s15;
	s15 =	smov.u32 s14;
	vm2 =	veq.s32 v1, $0x80000000;
	v2 =	vsel vm1, $0xFFFFFFFF, v2;
	v4 =	vsel vm1, $0xFFFFFFFF, v4  }
.LBB2_3:
0x4c: {  	v6 =	vand.u32 $0x7F, v4  }
0x4d: {  	v5 =	vld.msk [tilespmem:s17+$0x0 ss:$0x1], $0xffff;
	v3 =	vsel vm1, $0xFFF1E000, v3;
	v7 =	vshll.u32 v2, $0xA;
	vm1 =	vmmov vm2;
	s16 =	sadd.s32 $0x10, s16  }
0x4e: {  	v4 =	vshll.u32 v4, $0x3;
	s15 =	sadd.s32 $0x10, s15;
	v7 =	vand.u32 $0xFFFFE000, v7;
	v3 =	vor.u32 v3, v6;
	(ifvalue) =	ssetifvalue $0x7FFFFFFF;
	p0 =	slt.u32 s16, $0x31F0  }
0x4f: {  	[tilespmem:s15], [sflag:$0x1] =	stream.indirect_vreg.gather [hbm4b:s2+s10], $0x1, v0, vm0, $0x4038;
	[tilespmem:$0xC800] =	vst v63  }
.Ltmp3:
0x50: {  	v2 =	vshll.u32 v2, $0x7;
	v4 =	vand.u32 $0xFFFFFC00, v4;
	v3 =	vadd.s32 v7, v3;
	(pc) =	sbr.rel @p0 .LBB2_3-.Ltmp3, $4  }
0x51: {  	v6 =	vand.u32 $0xF, v1;
	v0 =	vand.u32 $0x380, v2;
	v2 =	vadd.s32 v4, v3  }
0x52: {  	v8 =	vshrl.u32 v1, $0xE;
	v3 =	vshrl.u32 v1, $0x4;
	v0 =	vor.u32 v0, v2  }
0x53: {  	v7 =	vand.u32 $0x3FF, v8;
	v2 =	vand.u32 $0x3FF, v3;
	v3 =	vmul.u32 $0xE2000, v6  }
0x54: {  	s17 =	sadd.s32 $0x10, s17;
	v4 =	vsel vm1, $0xFFFFFFFF, v7;
	vm2 =	veq.s32 v5, $0x80000000;
	v2 =	vsel vm1, $0xFFFFFFFF, v2;
	v1 =	vmovc v5  }
.Ltmp4:
0x55: {  	_ = 	snop;
	(pc) =	sbr.rel .LBB2_4-.Ltmp4, $1  }
0x56: {  	_ =	sdelay $0x3  }
.LBB2_6:
0x57: {  	_ =	sfence.sel $0x180000  }
0x58: {  	s2 =	simm.s32 $0x2;
	[bflag:$0x0] =	sbarrier.arrive $0xFFFF  }
0x59: {  	s30 =	simm.s32 $0x3;
	[sflag:s2] =	ssyncpa.u1 $0x1  }
0x5a: {  	s31 =	simm.s32 $0x1;
	[sflag:s30] =	ssyncpa.u1 $0x1  }
0x5b: {  	[sflag:s31] =	ssyncpa.u1 $0x1  }
0x5c: {  	p0 =	sne.s32 s1, $0x0;
	_ =	strace $0x9000004A  }
0x5d: {  	s0 =	sadd.s32 @!p0 $0x100000, s0;
	[bflag:$0x2] =	sbarrier.arrive $0xFFFF  }
0x5e: {  	[sflag:s0] =	ssyncadd.tile.s32 @!p0 $0x1;
	_ =	shalt  }
.Lfunc_end2:
_tile_overlayer_lowered:
.L_overlay_start_2:
0x5f: {  	(tag) =	ssettag $0x2  }
0x60: {  	s0 =	rddreg [dreg:$0x0];
	s2 =	stileid.u32  }
0x61: {  	s1 =	rddreg [dreg:$0x1];
	p0 =	sne.s32 s2, $0x0  }
0x62: {  	s3 =	rddreg [dreg:$0x2];
	[bflag:$0x3] =	sbarrier.arrive $0xFFFF;
	s2 =	simm.s32 @!p0 $0x1C01  }
0x63: {  	[timem:s3], [sflag:s2] =	dma.local @!p0 [hbm:s0], s1  }
0x64: {  	s0 =	simm.s32 @!p0 $0x1  }
0x65: {  	_ =	swait.ge @!p0 [sflag:s0], s1  }
0x66: {  	s1 =	ssub.s32 @!p0 $0x0, s1;
	[sflag:s0] =	ssyncset.done @!p0 $0x0  }
0x67: {  	[sflag:s0] =	ssyncadd.s32 @!p0 s1  }
0x68: {  	[bflag:$0x3] =	sbarrier.arrive $0xFFFF  }
0x69: {  	_ =	shalt  }

// kernel: kernel.4.cloned.1.call-start
scs
__scs_entry_jumppad:
0x0: {  	(pc) =	sbr.rel $0x88, $3  }
0x1: {  	(tag) =	ssettag $0x0;
	lr =	simm.s32 $0x1  }
0x2: {  	[smem:$0x3F9E] =	sst lr;
	_ =	strace $0xD0000000  }
0x3: {  	_ = 	snop  }
0x4: {  	_ = 	snop  }
0x5: {  	_ = 	snop  }
0x6: {  	_ = 	snop  }
0x7: {  	_ = 	snop  }
__scs_overlays_trampoline_lowered:
0x8: {  	[smem:$0x3FAD] =	sst s0  }
0x9: {  	[smem:$0x3FAE] =	sst s1  }
0xa: {  	[smem:$0x3FAF] =	sst s2  }
0xb: {  	[smem:$0x3FB0] =	sst s3  }
0xc: {  	[smem:$0x3FB1] =	sst s4  }
0xd: {  	[smem:$0x3FB2] =	sst s5  }
0xe: {  	[smem:$0x3FB3] =	sst s6  }
0xf: {  	[smem:$0x3FB4] =	sst s7  }
0x10: {  	[smem:$0x3FB5] =	sst s8  }
0x11: {  	[smem:$0x3FB6] =	sst s9;
	s0 =	simm.s32 @!p0 $0x0  }
0x12: {  	s1 =	sld [smem:$0x3F9C];
	s0 =	simm.s32 @p0 $0x1  }
0x13: {  	[smem:$0x3FB7] =	sst s0;
	s0 =	simm.s32 @!p1 $0x0  }
0x14: {  	s2 =	sld [smem:$0x3F9B];
	s0 =	simm.s32 @p1 $0x1  }
0x15: {  	[smem:$0x3FB8] =	sst s0;
	s0 =	simm.s32 @!p2 $0x0  }
0x16: {  	s3 =	sld [smem:$0x3FDB];
	s0 =	simm.s32 @p2 $0x1  }
0x17: {  	s4 =	simm.s32 $0x1BF5;
	[smem:$0x3FBA] =	sst s0  }
0x18: {  	s0 =	sld [smem:$0x3F9D];
	_ =	swait.ge [sflag:s4], $0x0  }
0x19: {  	s7 =	sld [smem:$0x3F9E]  }
0x1a: {  	s8 =	sadd.s32 $0xFFFFE003, lr  }
0x1b: {  	s9 =	sadd.s32 $0xFFFFFEF7, lr;
	s5 =	simm.s32 $0xFFFFFFFF;
	p2 =	slt.u32 s8, $0xFFFFF086  }
0x1c: {  	p1 =	slt.u32 s9, $0xF7A;
	s5 =	simm.s32 @!p2 $0x0  }
0x1d: {  	s5 =	simm.s32 @p1 $0x1;
	p0 =	seq.s32 s7, s2  }
0x1e: {  	s7 =	smul.u32 @!p0 $0xF7A, s2;
	p2 =	seq.s32 @!p0 s5, $0x0  }
0x1f: {  	s9 =	smul.u32 $0xF7A, s1;
	s8 =	simm.s32 @!p0 $0x1BF5;
	p2 =	por !p2, p0  }
0x20: {  	[sflag:s8] =	ssyncset.s32 @!p0 $0xFFFFF086;
	s6 =	sadd.s32 @!p0 s3, s7;
	s7 =	simm.s32 @!p0 $0x108  }
0x21: {  	s3 =	sadd.s32 s3, s9;
	s6 =	sadd.s32 @!p0 $0x88, s6;
	s7 =	simm.s32 @p2 $0x1082  }
0x22: {  	[simem:s7], [sflag:s8] =	dma.local @!p0 [hbm:s6], $0xF7A  }
0x23: {  	s9 =	sor.u32 $0xD0000000, s2;
	s6 =	simm.s32 $0x108;
	_ =	swait.ge @!p0 [sflag:s8], $0x0  }
0x24: {  	s3 =	sadd.s32 $0x88, s3;
	s6 =	simm.s32 @!p1 $0x1082;
	[sflag:s4] =	ssyncset.s32 $0xFFFFF086  }
0x25: {  	[simem:s6], [sflag:s4] =	dma.local [hbm:s3], $0xF7A  }
0x26: {  	[smem:$0x3F9E] =	sst s1;
	(tag) =	ssettag s2;
	_ =	strace s9  }
0x27: {  	s1 =	sld [smem:$0x3FAE]  }
0x28: {  	s2 =	sld [smem:$0x3FAF]  }
0x29: {  	s4 =	sld [smem:$0x3FB1]  }
0x2a: {  	p0 =	seq.s32 s5, $0x0;
	s5 =	sld [smem:$0x3FB2]  }
0x2b: {  	s6 =	sld [smem:$0x3FB3]  }
0x2c: {  	s7 =	sld [smem:$0x3FB4]  }
0x2d: {  	s3 =	simm.s32 $0x108;
	s8 =	sld [smem:$0x3FB5]  }
0x2e: {  	s3 =	simm.s32 @!p0 $0x1082;
	s9 =	sld [smem:$0x3FB6]  }
0x2f: {  	lr =	sadd.s32 s0, s3;
	s0 =	sld [smem:$0x3FAD]  }
0x30: {  	s3 =	sld [smem:$0x3FB0]  }
0x31: {  	[smem:$0x3FB9] =	sst s10  }
0x32: {  	s10 =	sld [smem:$0x3FB7];
	_ =	sdelay $0x3  }
0x33: {  	p0 =	seq.s32 s10, $0x1;
	s10 =	sld [smem:$0x3FB9];
	_ =	sdelay $0x3  }
0x34: {  	[smem:$0x3FB9] =	sst s10  }
0x35: {  	s10 =	sld [smem:$0x3FB8];
	_ =	sdelay $0x3  }
0x36: {  	p1 =	seq.s32 s10, $0x1;
	s10 =	sld [smem:$0x3FB9];
	_ =	sdelay $0x3  }
0x37: {  	[smem:$0x3FB9] =	sst s10  }
0x38: {  	s10 =	sld [smem:$0x3FBA]  }
0x39: {  	_ = 	snop;
	(pc) =	sbr.ind lr, $3  }
0x3a: {  	_ = 	snop  }
0x3b: {  	_ = 	snop  }
0x3c: {  	p2 =	seq.s32 s10, $0x1;
	s10 =	sld [smem:$0x3FB9]  }
0x3d: {  	_ =	shalt  }
0x3e: {  	_ =	shalt  }
0x3f: {  	_ =	shalt  }
0x40: {  	_ =	shalt  }
0x41: {  	_ =	shalt  }
0x42: {  	_ =	shalt  }
0x43: {  	_ =	shalt  }
0x44: {  	_ =	shalt  }
0x45: {  	_ =	shalt  }
0x46: {  	_ =	shalt  }
0x47: {  	_ =	shalt  }
0x48: {  	_ =	shalt  }
0x49: {  	_ =	shalt  }
0x4a: {  	_ =	shalt  }
0x4b: {  	_ =	shalt  }
0x4c: {  	_ =	shalt  }
0x4d: {  	_ =	shalt  }
0x4e: {  	_ =	shalt  }
0x4f: {  	_ =	shalt  }
0x50: {  	_ =	shalt  }
0x51: {  	_ =	shalt  }
0x52: {  	_ =	shalt  }
0x53: {  	_ =	shalt  }
0x54: {  	_ =	shalt  }
0x55: {  	_ =	shalt  }
0x56: {  	_ =	shalt  }
0x57: {  	_ =	shalt  }
0x58: {  	_ =	shalt  }
0x59: {  	_ =	shalt  }
0x5a: {  	_ =	shalt  }
0x5b: {  	_ =	shalt  }
0x5c: {  	_ =	shalt  }
0x5d: {  	_ =	shalt  }
0x5e: {  	_ =	shalt  }
0x5f: {  	_ =	shalt  }
0x60: {  	_ =	shalt  }
0x61: {  	_ =	shalt  }
0x62: {  	_ =	shalt  }
0x63: {  	_ =	shalt  }
0x64: {  	_ =	shalt  }
0x65: {  	_ =	shalt  }
0x66: {  	_ =	shalt  }
0x67: {  	_ =	shalt  }
0x68: {  	_ =	shalt  }
0x69: {  	_ =	shalt  }
0x6a: {  	_ =	shalt  }
0x6b: {  	_ =	shalt  }
0x6c: {  	_ =	shalt  }
0x6d: {  	_ =	shalt  }
0x6e: {  	_ =	shalt  }
0x6f: {  	_ =	shalt  }
0x70: {  	_ =	shalt  }
0x71: {  	_ =	shalt  }
0x72: {  	_ =	shalt  }
0x73: {  	_ =	shalt  }
0x74: {  	_ =	shalt  }
0x75: {  	_ =	shalt  }
0x76: {  	_ =	shalt  }
0x77: {  	_ =	shalt  }
0x78: {  	_ =	shalt  }
0x79: {  	_ =	shalt  }
0x7a: {  	_ =	shalt  }
0x7b: {  	_ =	shalt  }
0x7c: {  	_ =	shalt  }
0x7d: {  	_ =	shalt  }
0x7e: {  	_ =	shalt  }
0x7f: {  	_ =	shalt  }
0x80: {  	_ =	shalt  }
0x81: {  	_ =	shalt  }
0x82: {  	_ =	shalt  }
0x83: {  	_ =	shalt  }
0x84: {  	_ =	shalt  }
0x85: {  	_ =	shalt  }
0x86: {  	_ =	shalt  }
0x87: {  	_ =	shalt  }
.Lfunc_end0:
.L_simem_size_0:
called_computation.2_lowered:
.L_overlay_start_0:
0x88: {  	s2 =	sld [smem:$0x3FD9]  }
0x89: {  	s3 =	sld [smem:$0x3FFE];
	_ =	sdelay $0x1  }
0x8a: {  	s1 =	srdreg.scid  }
0x8b: {  	s0 =	sand.u32 $0x1, s1  }
0x8c: {  	s17 =	sshll.u32 s0, $0xA;
	s2 =	sadd.s32 s3, s2  }
0x8d: {  	s2 =	sadd.s32 s2, s17  }
0x8e: {  	[smem:$0x3FC5] =	sst s2  }
0x8f: {  	_ = 	snop  }
0x90: {  	s2 =	sld [smem:$0x3FD0];
	(tm) =	ssettm $0x1  }
0x91: {  	s18 =	sld [smem:$0x3FFB];
	_ =	sdelay $0x3  }
0x92: {  	_ =	strace s18  }
0x93: {  	s3 =	sld [smem:$0x3FFC];
	_ =	sdelay $0x3  }
0x94: {  	_ =	strace s3  }
0x95: {  	s3 =	sld [smem:$0x3FFD];
	_ =	sdelay $0x3  }
0x96: {  	_ =	strace s3  }
0x97: {  	_ =	strace $0x8FFFFFFF  }
0x98: {  	s19 =	sld [smem:$0x3FDB];
	_ =	sdelay $0x1  }
0x99: {  	s4 =	simm.s32 $_scs_section_size  }
0x9a: {  	s5 =	simm.s32 $_size__tile_overlayer_lowered;
	s6 =	simm.s32 $_tile_overlayer_lowered  }
0x9b: {  	s22 =	simm.s32 $0x1BFF;
	s21 =	sshll.u32 s6, $0x1;
	s3 =	sadd.s32 s4, s19  }
0x9c: {  	s7 =	simm.s32 $0x0;
	s20 =	sshll.u32 s5, $0x1;
	s5 =	sadd.s32 s21, s3  }
0x9d: {  	[timem:s7], [sflag:s22] =	dma.local [hbm:s5], s20  }
0x9e: {  	_ =	swait.ge [sflag:s22], s20  }
0x9f: {  	s4 =	ssub.s32 $0x0, s20;
	[sflag:s22] =	ssyncset.done $0x0  }
0xa0: {  	[sflag:s22] =	ssyncadd.s32 s4;
	_ =	sdelay $0x1  }
0xa1: {  	s23 =	simm.s32 $0x1B8B  }
0xa2: {  	_ =	swait.ge [sflag:s23], $0x1  }
0xa3: {  	[sflag:s23] =	ssyncset.done $0x0  }
0xa4: {  	s25 =	simm.s32 $0x1B8E;
	s24 =	sld [smem:$0x3FFE];
	[sflag:s23] =	ssyncadd.s32 $0xFFFFFFFF  }
0xa5: {  	s26 =	simm.s32 $execute0_lowered;
	[smem:$0x3FD2] =	sst s25  }
0xa6: {  	s5 =	sshll.u32 s26, $0x1;
	_ =	strace $0x8000004C;
	[dreg:$0x1] =	wrdreg $0xFFFFFFFF  }
0xa7: {  	s28 =	simm.s32 $_size_execute0_lowered;
	s3 =	sadd.s32 s3, s5;
	[dreg:$0x0] =	wrdreg $0x0  }
0xa8: {  	s5 =	sshll.u32 s28, $0x1;
	[dreg:$0x2] =	wrdreg s3  }
0xa9: {  	[dreg:$0x3] =	wrdreg s5  }
0xaa: {  	[dreg:$0x4] =	wrdreg $0xC0  }
0xab: {  	_ =	task [dreg:s7], $0x5FFFF  }
0xac: {  	[dreg:$0x1] =	wrdreg $0xFFFFFFFF  }
0xad: {  	[dreg:$0x0] =	wrdreg $0x60  }
0xae: {  	[dreg:$0x2] =	wrdreg s2  }
0xaf: {  	[dreg:$0x3] =	wrdreg s24  }
0xb0: {  	[dreg:$0x4] =	wrdreg $0x9  }
0xb1: {  	_ =	task.clear_ibuf [dreg:s7], $0x5FFFF;
	_ =	strace $0x9000004C  }
0xb2: {  	s29 =	simm.s32 $0x9;
	_ =	strace $0x8000004E  }
0xb3: {  	_ =	swait.ge [sflag:s29], $0x1  }
0xb4: {  	[sflag:s29] =	ssyncadd.s32 $0xFFFFFFFF  }
0xb5: {  	_ =	strace $0x9000004E  }
0xb6: {  	_ =	sfence  }
0xb7: {  	s30 =	sld [smem:$0x0];
	_ =	sdelay $0x2  }
0xb8: {  	s31 =	sshll.u32 s1, $0xD;
	s1 =	sshrl.u32 s1, $0x2  }
0xb9: {  	s3 =	sand.u32 $0x4000, s31;
	s1 =	sadd.s32 s1, s30  }
0xba: {  	s0 =	sor.u32 s3, s0;
	s1 =	sshll.u32 s1, $0x11  }
0xbb: {  	s0 =	sor.u32 s1, s0  }
0xbc: {  	s0 =	sadd.s32 $0x8F2B, s0  }
0xbd: {  	[sflag:s0] =	ssyncadd.remote.s32 $0x1  }
0xbe: {  	_ =	sfence.sel $0xFFFF  }
0xbf: {  	[dreg:$0x0] =	wrdreg $0xFFFFFFFF;
	(pc) =	sbr.abs _section_cstart, $3  }
0xc0: {  	[dreg:$0x1] =	wrdreg $0xFFFFFFFF  }
0xc1: {  	_ =	task.clear_ibuf [dreg:s7], $0x2FFFF;
	_ =	strace $0x9FFFFFFF  }
0xc2: {  	(tm) =	ssettm $0x7FFFFFFF  }
0xc3: {  	_ =	shalt  }
tec
execute0_lowered:
.L_overlay_start_1:
0x0: {  	(tag) =	ssettag $0x1  }
0x1: {  	s1 =	srdreg.scid;
	s3 =	rddreg [dreg:$0x0]  }
0x2: {  	s0 =	stileid.u32;
	s5 =	rddreg [dreg:$0x1]  }
0x3: {  	s2 =	simm.s32 $0x0;
	s8 =	simm.s32 $0x400;
	s9 =	simm.s32 $0x3C80  }
0x4: {  	s10 =	simm.s32 $0x0;
	s4 =	sand.u32 $0x1, s1;
	s30 =	sshll.u32 s0, $0x1  }
0x5: {  	s1 =	rddreg [dreg:$0x2];
	s7 =	smul.u32 $0x78, s0;
	s6 =	sor.u32 s4, s30  }
0x6: {  	[smem:$0x7FF] =	sst s2;
	s4 =	ssub.s32 $0x2, s4;
	s6 =	smul.u32 $0x708, s6  }
0x7: {  	_ =	strace $0x8000004D;
	s31 =	sshrl.u32 s4, $0x1;
	s3 =	sadd.s32 s3, s7  }
0x8: {  	s7 =	simm.s32 $0x1;
	s5 =	sadd.s32 s6, s5;
	s6 =	ssub.s32 s4, s31  }
0x9: {  	s4 =	sadd.s32 $0x38E00, s5;
	s5 =	sadd.s32 $0x47000, s5;
	s6 =	smax.u32 s6, $0x1  }
.LBB2_1:
0xa: {  	[tilespmem:s2], [sflag:$0x1] =	stream.linear.gather [hbm4b:s3+s2], $0x3C0, $0x38;
	[tilespmem:$0x7500] =	vst v63  }
0xb: {  	_ =	swait.ge [sflag:s7], $0x3C0  }
0xc: {  	[sflag:s7] =	ssyncset.done $0x0  }
0xd: {  	[sflag:s7] =	ssyncadd.s32 $0xFFFFFC40  }
0xe: {  	[tilespmem:s8], [sflag:$0x1] =	stream.linear.gather [hbm4b:s4+s2], $0x3840, $0x38;
	[tilespmem:$0x7500] =	vst v63  }
0xf: {  	_ =	swait.ge [sflag:s7], $0x3840  }
0x10: {  	[sflag:s7] =	ssyncset.done $0x0  }
0x11: {  	s11 =	simm.s32 $0x0;
	[sflag:s7] =	ssyncadd.s32 $0xFFFFC7C0  }
0x12: {  	v0 =	vld [tilespmem:s11+$0x400];
	_ =	sdelay $0x7  }
0x13: {  	s12 =	simm.s32 $0x10;
	s13 =	simm.s32 $0x80;
	v0 =	vld.idx.msk [tilespmem:v0+s2+$0x0], $0xffff  }
.LBB2_2:
0x14: {  	p0 =	sne.s32 s13, $0xE0C0;
	v1 =	vld [tilespmem:s12+$0x400];
	_ =	sdelay $0x3  }
.Ltmp0:
0x15: {  	(pc) =	sbr.rel @p0 .LBB2_2-.Ltmp0, $2  }
0x16: {  	[tilespmem:s11+$0x3C80] =	vst v0;
	s11 =	smov.u32 s12;
	_ =	sdelay $0x2  }
0x17: {  	s12 =	sshra.s32 s13, $0x2;
	s13 =	sadd.s32 $0x40, s13;
	v0 =	vld.idx.msk [tilespmem:v1+s2+$0x0], $0xffff  }
0x18: {  	v1 =	vld [tilespmem:s12+$0x400];
	_ =	sdelay $0x6  }
0x19: {  	[tilespmem:s11+$0x3C80] =	vst v0  }
0x1a: {  	v0 =	vld.idx.msk [tilespmem:v1+s2+$0x0], $0xffff;
	_ =	sdelay $0x2  }
0x1b: {  	s10 =	sadd.s32 $0x1, s10  }
0x1c: {  	p0 =	sne.s32 s10, s6  }
.Ltmp1:
0x1d: {  	[tilespmem:s12+$0x3C80] =	vst v0;
	(pc) =	sbr.rel @p0 .LBB2_1-.Ltmp1, $4  }
0x1e: {  	[hbm4b:s5+s2] =	stream.linear.scatter [tilespmem:s9], [sflag:$0x1], $0x3840, $0x38;
	[tilespmem:$0x7500] =	vst v63  }
0x1f: {  	_ =	swait.ge [sflag:s7], $0x3840  }
0x20: {  	[sflag:s7] =	ssyncset.done $0x0  }
0x21: {  	[sflag:s7] =	ssyncadd.s32 $0xFFFFC7C0  }
0x22: {  	_ =	sfence.sel $0x180000  }
0x23: {  	[bflag:$0x0] =	sbarrier.arrive $0xFFFF  }
0x24: {  	p0 =	sne.s32 s0, $0x0;
	_ =	strace $0x9000004D  }
0x25: {  	s0 =	sadd.s32 @!p0 $0x100000, s1;
	[bflag:$0x2] =	sbarrier.arrive $0xFFFF  }
0x26: {  	[sflag:s0] =	ssyncadd.tile.s32 @!p0 $0x1;
	_ =	shalt  }
.Lfunc_end2:
_tile_overlayer_lowered:
.L_overlay_start_2:
0x27: {  	(tag) =	ssettag $0x2  }
0x28: {  	s0 =	rddreg [dreg:$0x0];
	s2 =	stileid.u32  }
0x29: {  	s1 =	rddreg [dreg:$0x1];
	p0 =	sne.s32 s2, $0x0  }
0x2a: {  	s3 =	rddreg [dreg:$0x2];
	[bflag:$0x3] =	sbarrier.arrive $0xFFFF;
	s2 =	simm.s32 @!p0 $0x1C01  }
0x2b: {  	[timem:s3], [sflag:s2] =	dma.local @!p0 [hbm:s0], s1  }
0x2c: {  	s0 =	simm.s32 @!p0 $0x1  }
0x2d: {  	_ =	swait.ge @!p0 [sflag:s0], s1  }
0x2e: {  	s1 =	ssub.s32 @!p0 $0x0, s1;
	[sflag:s0] =	ssyncset.done @!p0 $0x0  }
0x2f: {  	[sflag:s0] =	ssyncadd.s32 @!p0 s1  }
0x30: {  	[bflag:$0x3] =	sbarrier.arrive $0xFFFF  }
0x31: {  	_ =	shalt  }

// kernel: sparse-core-data-format-call.cloned.1.call-start
scs
called_computation_lowered:
.L_overlay_start_0:
0x0: {  	s1 =	sld [smem:$0x3FD9]  }
0x1: {  	s2 =	sld [smem:$0x3FFE];
	_ =	sdelay $0x1  }
0x2: {  	s3 =	srdreg.scid  }
0x3: {  	s0 =	sand.u32 $0x1, s3  }
0x4: {  	s17 =	sshll.u32 s0, $0xA;
	s1 =	sadd.s32 s2, s1  }
0x5: {  	s1 =	sadd.s32 s1, s17  }
0x6: {  	[smem:$0x3FC5] =	sst s1  }
0x7: {  	_ = 	snop  }
0x8: {  	(tm) =	ssettm $0x1  }
0x9: {  	s18 =	sld [smem:$0x3FFB];
	_ =	sdelay $0x3  }
0xa: {  	_ =	strace s18  }
0xb: {  	s1 =	sld [smem:$0x3FFC];
	_ =	sdelay $0x3  }
0xc: {  	_ =	strace s1  }
0xd: {  	s1 =	sld [smem:$0x3FFD];
	_ =	sdelay $0x3  }
0xe: {  	_ =	strace s1  }
0xf: {  	_ =	strace $0x8FFFFFFF  }
0x10: {  	s19 =	sld [smem:$0x3FDB];
	_ =	sdelay $0x1  }
0x11: {  	s20 =	simm.s32 $_scs_section_size  }
0x12: {  	s4 =	simm.s32 $_size__tile_overlayer_lowered;
	s5 =	simm.s32 $_tile_overlayer_lowered  }
0x13: {  	s23 =	simm.s32 $0x1BFF;
	s22 =	sshll.u32 s5, $0x1;
	s1 =	sadd.s32 s20, s19  }
0x14: {  	s6 =	simm.s32 $0x0;
	s21 =	sshll.u32 s4, $0x1;
	s4 =	sadd.s32 s22, s1  }
0x15: {  	[timem:s6], [sflag:s23] =	dma.local [hbm:s4], s21  }
0x16: {  	_ =	swait.ge [sflag:s23], s21  }
0x17: {  	s2 =	ssub.s32 $0x0, s21;
	[sflag:s23] =	ssyncset.done $0x0  }
0x18: {  	[sflag:s23] =	ssyncadd.s32 s2;
	_ =	sdelay $0x1  }
0x19: {  	s24 =	simm.s32 $0x1B8B  }
0x1a: {  	_ =	swait.ge [sflag:s24], $0x1  }
0x1b: {  	[sflag:s24] =	ssyncset.done $0x0  }
0x1c: {  	s26 =	simm.s32 $0x1B8E;
	s25 =	sld [smem:$0x3FFE];
	[sflag:s24] =	ssyncadd.s32 $0xFFFFFFFF  }
0x1d: {  	s27 =	simm.s32 $execute0_lowered;
	[smem:$0x3FD2] =	sst s26  }
0x1e: {  	s4 =	sshll.u32 s27, $0x1;
	_ =	strace $0x80000046;
	[dreg:$0x1] =	wrdreg $0xFFFFFFFF  }
0x1f: {  	s28 =	simm.s32 $_size_execute0_lowered;
	s1 =	sadd.s32 s1, s4;
	[dreg:$0x0] =	wrdreg $0x0  }
0x20: {  	s4 =	sshll.u32 s28, $0x1;
	[dreg:$0x2] =	wrdreg s1  }
0x21: {  	[dreg:$0x3] =	wrdreg s4  }
0x22: {  	[dreg:$0x4] =	wrdreg $0xC0  }
0x23: {  	_ =	task [dreg:s6], $0x5FFFF  }
0x24: {  	[dreg:$0x1] =	wrdreg $0xFFFFFFFF  }
0x25: {  	[dreg:$0x0] =	wrdreg $0x60  }
0x26: {  	[dreg:$0x2] =	wrdreg s25  }
0x27: {  	[dreg:$0x3] =	wrdreg $0x9  }
0x28: {  	_ =	task.clear_ibuf [dreg:s6], $0x4FFFF;
	_ =	strace $0x90000046  }
0x29: {  	s29 =	simm.s32 $0x9;
	_ =	strace $0x80000048  }
0x2a: {  	_ =	swait.ge [sflag:s29], $0x1  }
0x2b: {  	[sflag:s29] =	ssyncadd.s32 $0xFFFFFFFF  }
0x2c: {  	_ =	strace $0x90000048  }
0x2d: {  	_ =	sfence  }
0x2e: {  	s30 =	sld [smem:$0x0];
	_ =	sdelay $0x2  }
0x2f: {  	s31 =	sshll.u32 s3, $0xD;
	s3 =	sshrl.u32 s3, $0x2  }
0x30: {  	s2 =	sand.u32 $0x4000, s31;
	s1 =	sadd.s32 s3, s30  }
0x31: {  	s0 =	sor.u32 s2, s0;
	s1 =	sshll.u32 s1, $0x11  }
0x32: {  	s0 =	sor.u32 s1, s0  }
0x33: {  	s0 =	sadd.s32 $0x8F2B, s0  }
0x34: {  	[sflag:s0] =	ssyncadd.remote.s32 $0x1  }
0x35: {  	_ =	sfence.sel $0xFFFF  }
0x36: {  	[dreg:$0x0] =	wrdreg $0xFFFFFFFF;
	(pc) =	sbr.abs _section_cstart, $3  }
0x37: {  	[dreg:$0x1] =	wrdreg $0xFFFFFFFF  }
0x38: {  	_ =	task.clear_ibuf [dreg:s6], $0x2FFFF;
	_ =	strace $0x9FFFFFFF  }
0x39: {  	(tm) =	ssettm $0x7FFFFFFF  }
tec
execute0_lowered:
.L_overlay_start_1:
0x0: {  	(tag) =	ssettag $0x1  }
0x1: {  	s0 =	rddreg [dreg:$0x0];
	_ =	strace $0x80000047  }
0x2: {  	s6 =	stileid.u32;
	s30 =	srdreg.scid;
	s1 =	simm.s32 $0x1  }
0x3: {  	s31 =	simm.s32 $0x2;
	s16 =	simm.s32 $0x0;
	s17 =	simm.s32 $0x0  }
0x4: {  	s18 =	simm.s32 $0x0;
	s9 =	simm.s32 $0x0;
	s11 =	simm.s32 $0x0  }
.Ltmp0:
0x5: {  	s13 =	simm.s32 $0x0;
	s12 =	simm.s32 $0x0;
	(pc) =	sbr.rel .LBB1_1-.Ltmp0, $4  }
0x6: {  	s15 =	stileid.u32;
	s7 =	sadd.s32 $0x1C4600, s0;
	s0 =	sadd.s32 $0x388600, s0  }
0x7: {  	s10 =	simm.s32 $0x0;
	[dreg:$0x3] =	wrdreg s0;
	s0 =	sshll.u32 s30, $0x7  }
0x8: {  	[sflag:s1] =	ssyncpa.u1 $0x0;
	[dreg:$0x2] =	wrdreg s7;
	s8 =	sand.u32 $0x80, s0  }
0x9: {  	[sflag:s31] =	ssyncpa.u1 $0x0;
	s14 =	smov.u32 s8;
	[dreg:$0x4] =	wrdreg s8  }
.LBB1_14:
0xa: {  	s9 =	rddreg [dreg:$0x5]  }
0xb: {  	s11 =	rddreg [dreg:$0x7]  }
0xc: {  	s3 =	rddreg [dreg:$0x10]  }
0xd: {  	s4 =	rddreg [dreg:$0x11]  }
0xe: {  	s23 =	rddreg [dreg:$0xf]  }
0xf: {  	s13 =	rddreg [dreg:$0x9]  }
0x10: {  	s26 =	rddreg [dreg:$0x3]  }
0x11: {  	s29 =	rddreg [dreg:$0x12]  }
0x12: {  	s7 =	rddreg [dreg:$0x2]  }
0x13: {  	s8 =	rddreg [dreg:$0x4]  }
0x14: {  	s10 =	rddreg [dreg:$0x6]  }
0x15: {  	s12 =	rddreg [dreg:$0x8]  }
0x16: {  	s14 =	rddreg [dreg:$0xa]  }
0x17: {  	s15 =	rddreg [dreg:$0xb]  }
0x18: {  	s16 =	rddreg [dreg:$0xc]  }
0x19: {  	s17 =	rddreg [dreg:$0xd]  }
0x1a: {  	s31 =	simm.s32 $0x2000;
	s6 =	stileid.u32;
	s18 =	rddreg [dreg:$0xe]  }
0x1b: {  	s0 =	sshll.u32 s9, $0xA;
	s1 =	sshll.u32 s11, $0x3;
	p0 =	sgt.s32 s11, $0x380  }
0x1c: {  	s2 =	smov.u32 s11;
	s24 =	sshll.u32 s9, $0x7;
	s25 =	sand.u32 $0x78, s11  }
0x1d: {  	s5 =	smul.u32 $0x1C400, s13;
	s27 =	sand.u32 $0x7, s11;
	s0 =	sand.u32 $0xFFFFE000, s0  }
0x1e: {  	s1 =	sand.u32 $0xFFFFFC00, s1;
	s2 =	simm.s32 @!p0 $0x380;
	p0 =	sgt.s32 s9, $0x308  }
0x1f: {  	s0 =	sadd.s32 s1, s0;
	s1 =	smov.u32 s9;
	s2 =	sadd.s32 s3, s2  }
0x20: {  	s0 =	sshrl.u32 s0, $0xA;
	s1 =	simm.s32 @!p0 $0x308;
	s3 =	sadd.s32 $0xFFFFFC80, s2  }
0x21: {  	s2 =	ssub.s32 $0x400, s2;
	s1 =	sadd.s32 s4, s1;
	p0 =	sgt.s32 s3, $0x7F  }
0x22: {  	s22 =	smulhi.u32 $0x487EDF, s0;
	s4 =	sadd.s32 $0xFFFFFCF8, s1;
	s2 =	simm.s32 @p0 $0x0  }
0x23: {  	s1 =	ssub.s32 $0x388, s1;
	p0 =	sgt.s32 s4, $0x7F;
	s2 =	smul.u32 s23, s2  }
0x24: {  	s3 =	smul.u32 $0x388, s22;
	s4 =	sand.u32 $0x380, s24;
	s1 =	simm.s32 @p0 $0x0  }
0x25: {  	s28 =	sshll.u32 s27, $0x12;
	s1 =	smul.u32 s1, s2;
	s2 =	sor.u32 s25, s4  }
0x26: {  	s0 =	ssub.s32 s0, s3;
	s3 =	sadd.s32 s26, s5;
	s2 =	sshrl.u32 s2, $0x3  }
0x27: {  	s30 =	sor.u32 $0x400, s28;
	s0 =	sshll.u32 s0, $0x7;
	s2 =	sadd.s32 s2, s3  }
0x28: {  	s4 =	sor.u32 $0x8000, s29;
	s1 =	sand.u32 $0x3FFFFFFF, s1;
	s0 =	sadd.s32 s0, s2  }
0x29: {  	[hbm4b:s0+s30] =	stream.strided.scatter [tilespmem:s4], [sflag:$0x2], s1, s31, s30, $0x20;
	[tilespmem:$0x10100] =	vst v63  }
.LBB1_15:
0x2a: {  	p0 =	slt.u32 s10, $0x2  }
0x2b: {  	p1 =	sgt.s32 @!p0 s18, $0xF  }
0x2c: {  	s0 =	smov.u32 s18;
	s1 =	sshra.s32 @!p0 s18, $0x1F;
	p1 =	por !p1, p0  }
0x2d: {  	s1 =	sand.u32 @!p0 s1, s18;
	s0 =	simm.s32 @p1 $0xF  }
0x2e: {  	s3 =	smov.u32 s16;
	s0 =	ssub.s32 @!p0 s0, s1  }
0x2f: {  	p2 =	sgt.s32 @!p0 s17, $0x380;
	s2 =	sshra.s32 @!p0 s17, $0x1F;
	s1 =	sadd.s32 @!p0 $0xFFFFFFF1, s0  }
0x30: {  	p2 =	por !p2, p0;
	p1 =	sgt.s32 @!p0 s1, $0x0;
	s1 =	smov.u32 s17  }
0x31: {  	s2 =	sand.u32 @!p0 s2, s17;
	s1 =	simm.s32 @p2 $0x380;
	p2 =	sgt.s32 @!p0 s16, $0x308  }
0x32: {  	s0 =	ssub.s32 @!p0 $0x10, s0;
	p1 =	por !p1, p0;
	p2 =	por !p2, p0  }
0x33: {  	s1 =	ssub.s32 @!p0 s1, s2;
	s2 =	sshra.s32 @!p0 s16, $0x1F;
	s0 =	simm.s32 @!p1 $0x0  }
0x34: {  	s3 =	simm.s32 @p2 $0x308;
	s2 =	sand.u32 @!p0 s2, s16;
	s4 =	sadd.s32 @!p0 $0xFFFFFC80, s1  }
0x35: {  	s1 =	ssub.s32 @!p0 $0x400, s1;
	s2 =	ssub.s32 @!p0 s3, s2;
	p1 =	sgt.s32 @!p0 s4, $0x7F  }
0x36: {  	s4 =	smov.u32 s14;
	s3 =	sadd.s32 @!p0 $0xFFFFFCF8, s2;
	p1 =	por !p1, p0  }
0x37: {  	s2 =	ssub.s32 @!p0 $0x388, s2;
	p2 =	sgt.s32 @!p0 s3, $0x7F;
	s1 =	simm.s32 @!p1 $0x0  }
0x38: {  	p1 =	por !p2, p0;
	s0 =	smul.u32 @!p0 s0, s1;
	s1 =	sadd.s32 $0x80, s12  }
0x39: {  	s3 =	sadd.s32 $0x100, s14;
	s2 =	simm.s32 @!p1 $0x0;
	p1 =	sgt.s32 s1, $0x383  }
0x3a: {  	s0 =	smul.u32 @!p0 s2, s0;
	s4 =	smov.u32 @p1 s3  }
0x3b: {  	s2 =	sadd.s32 $0x10, s15;
	s3 =	smov.u32 s15;
	p2 =	sgt.s32 s4, $0x383  }
0x3c: {  	s10 =	sadd.s32 $0x1, s10;
	s3 =	smov.u32 @p2 s2  }
0x3d: {  	s18 =	smov.u32 s13;
	s1 =	simm.s32 @p1 $0x0;
	p1 =	sgt.s32 s3, $0xF  }
0x3e: {  	s13 =	smov.u32 s15;
	s3 =	smov.u32 @p1 s6;
	p1 =	sne.s32 s10, $0x22  }
.Ltmp1:
0x3f: {  	s17 =	smov.u32 s11;
	s11 =	smov.u32 s14;
	(pc) =	sbr.rel @!p1 .LBB1_16-.Ltmp1, $4  }
0x40: {  	s16 =	smov.u32 s9;
	s0 =	sand.u32 @!p0 $0x3FFFFFFF, s0;
	s2 =	simm.s32 @!p0 $0x2  }
0x41: {  	s9 =	smov.u32 s12;
	s12 =	smov.u32 s1;
	_ =	swait.ge @!p0 [sflag:s2], s0  }
0x42: {  	s4 =	smov.u32 @p2 s8;
	s0 =	ssub.s32 @!p0 $0x0, s0;
	[sflag:s2] =	ssyncset.done @!p0 $0x0  }
0x43: {  	s14 =	smov.u32 s4;
	[sflag:s2] =	ssyncadd.s32 @!p0 s0;
	s15 =	smov.u32 s3  }
.LBB1_1:
0x44: {  	p0 =	sgt.u32 s10, $0x1F;
	s2 =	smov.u32 s15;
	s5 =	smov.u32 s12  }
0x45: {  	s0 =	sshll.u32 @!p0 s14, $0xA;
	p1 =	sgt.s32 @!p0 s15, $0xF;
	s1 =	sshll.u32 @!p0 s12, $0x3  }
0x46: {  	s3 =	sshra.s32 @!p0 s15, $0x1F;
	s0 =	sand.u32 @!p0 $0xFFFFE000, s0;
	p1 =	por !p1, p0  }
0x47: {  	s2 =	simm.s32 @p1 $0xF;
	p1 =	sgt.s32 @!p0 s14, $0x308;
	s0 =	sadd.s32 @!p0 s0, s1  }
0x48: {  	s1 =	sand.u32 @!p0 s3, s15;
	s3 =	smov.u32 s14;
	p1 =	por !p1, p0  }
0x49: {  	s1 =	ssub.s32 @!p0 s2, s1;
	s3 =	simm.s32 @p1 $0x308;
	p1 =	sgt.s32 @!p0 s12, $0x380  }
0x4a: {  	s4 =	sshra.s32 @!p0 s14, $0x1F;
	s2 =	sadd.s32 @!p0 $0xFFFFFFF1, s1;
	p1 =	por !p1, p0  }
0x4b: {  	s5 =	simm.s32 @p1 $0x380;
	p1 =	sgt.s32 @!p0 s2, $0x0;
	s2 =	sand.u32 @!p0 s4, s14  }
0x4c: {  	s1 =	ssub.s32 @!p0 $0x10, s1;
	s2 =	ssub.s32 @!p0 s3, s2;
	s3 =	sshra.s32 @!p0 s12, $0x1F  }
0x4d: {  	p1 =	por !p1, p0;
	s4 =	sadd.s32 @!p0 $0xFFFFFCF8, s2;
	s3 =	sand.u32 @!p0 s3, s12  }
0x4e: {  	s1 =	simm.s32 @!p1 $0x0;
	p1 =	sgt.s32 @!p0 s4, $0x7F;
	s3 =	ssub.s32 @!p0 s5, s3  }
0x4f: {  	s2 =	ssub.s32 @!p0 $0x388, s2;
	p1 =	por !p1, p0;
	s4 =	sadd.s32 @!p0 $0xFFFFFC80, s3  }
0x50: {  	s0 =	sshrl.u32 @!p0 s0, $0xA;
	s2 =	simm.s32 @!p1 $0x0;
	p1 =	sgt.s32 @!p0 s4, $0x7F  }
0x51: {  	s1 =	smul.u32 @!p0 s1, s2;
	s2 =	ssub.s32 @!p0 $0x400, s3;
	p1 =	por !p1, p0  }
0x52: {  	s5 =	sshll.u32 @!p0 s14, $0x7;
	s3 =	smulhi.u32 @!p0 $0x487EDF, s0;
	s2 =	simm.s32 @!p1 $0x0  }
0x53: {  	s5 =	sand.u32 @!p0 $0x380, s5;
	s1 =	smul.u32 @!p0 s2, s1  }
0x54: {  	s4 =	sxor.u32 @!p0 $0xFFFFFFFF, s10;
	s2 =	sand.u32 @!p0 $0x78, s12;
	s3 =	smul.u32 @!p0 $0x388, s3  }
0x55: {  	s4 =	sshll.u32 @!p0 s4, $0xE;
	s2 =	sor.u32 @!p0 s2, s5;
	s5 =	smul.u32 @!p0 $0x1C400, s15  }
0x56: {  	s4 =	sand.u32 @!p0 $0x4000, s4;
	s0 =	ssub.s32 @!p0 s0, s3;
	s1 =	sand.u32 @!p0 $0x3FFFFFFF, s1  }
0x57: {  	s2 =	sshrl.u32 @!p0 s2, $0x3;
	s3 =	sadd.s32 @!p0 s7, s5;
	s5 =	sand.u32 @!p0 $0x7, s12  }
0x58: {  	s0 =	sshll.u32 @!p0 s0, $0x7;
	s2 =	sadd.s32 @!p0 s2, s3;
	s3 =	sshll.u32 @!p0 s5, $0x12  }
0x59: {  	s0 =	sadd.s32 @!p0 s0, s2;
	s2 =	sor.u32 @!p0 $0x400, s3;
	s3 =	simm.s32 @!p0 $0x2000  }
0x5a: {  	[tilespmem:s4], [sflag:$0x1] =	stream.strided.gather @!p0 [hbm4b:s0+s2], s1, s3, s2, $0x38;
	[tilespmem:$0x10100] =	vst v63  }
0x5b: {  	p0 =	seq.s32 s10, $0x0  }
0x5c: {  	p1 =	seq.s32 @!p0 s10, $0x21  }
0x5d: {  	p0 =	por p0, p1  }
.Ltmp2:
0x5e: {  	_ = 	snop;
	(pc) =	sbr.rel @p0 .LBB1_15-.Ltmp2, $1  }
0x5f: {  	_ =	sdelay $0x3  }
0x60: {  	[dreg:$0xe] =	wrdreg s18  }
0x61: {  	[dreg:$0xd] =	wrdreg s17  }
0x62: {  	[dreg:$0xc] =	wrdreg s16  }
0x63: {  	[dreg:$0xb] =	wrdreg s15  }
0x64: {  	[dreg:$0xa] =	wrdreg s14  }
0x65: {  	[dreg:$0x8] =	wrdreg s12  }
0x66: {  	p0 =	sgt.s32 s13, $0xF;
	s0 =	smov.u32 s13;
	s1 =	sshra.s32 s13, $0x1F  }
0x67: {  	s25 =	ssub.s32 $0x0, s11;
	s2 =	sshra.s32 s11, $0x1F;
	s3 =	smov.u32 s11  }
0x68: {  	p1 =	sgt.s32 s9, $0x380;
	s27 =	ssub.s32 $0x0, s9;
	[dreg:$0x5] =	wrdreg s9  }
0x69: {  	s28 =	sshra.s32 s9, $0x1F;
	s0 =	simm.s32 @!p0 $0xF;
	s1 =	sand.u32 s1, s13  }
0x6a: {  	p0 =	sgt.s32 s11, $0x308;
	s29 =	sand.u32 s27, s28;
	s0 =	ssub.s32 s0, s1  }
0x6b: {  	s1 =	sand.u32 s25, s2;
	s3 =	simm.s32 @!p0 $0x308;
	s2 =	smov.u32 s9  }
0x6c: {  	s4 =	sadd.s32 $0xFFFFFFF1, s0;
	[dreg:$0x10] =	wrdreg s1;
	s1 =	sadd.s32 s1, s3  }
0x6d: {  	s5 =	ssub.s32 $0x10, s0;
	s2 =	simm.s32 @!p1 $0x380;
	p0 =	sgt.s32 s4, $0x0  }
0x6e: {  	s26 =	sadd.s32 $0xFFFFFCF8, s1;
	s0 =	ssub.s32 $0x388, s1;
	s1 =	sadd.s32 s29, s2  }
0x6f: {  	[dreg:$0x9] =	wrdreg s13;
	s5 =	simm.s32 @p0 $0x0;
	s2 =	sadd.s32 $0xFFFFFC80, s1  }
0x70: {  	s1 =	ssub.s32 $0x400, s1;
	p0 =	sgt.s32 s2, $0x7F;
	s2 =	sadd.s32 $0x1, s13  }
0x71: {  	s3 =	sadd.s32 $0x80, s11;
	s1 =	simm.s32 @p0 $0x0;
	p0 =	slt.s32 s2, $0x10  }
0x72: {  	p1 =	sgt.s32 s26, $0x7F;
	s2 =	simm.s32 @!p0 $0x10;
	p0 =	slt.s32 s3, $0x384  }
0x73: {  	s0 =	simm.s32 @p1 $0x0;
	s21 =	ssub.s32 s2, s13;
	s3 =	simm.s32 @!p0 $0x384  }
0x74: {  	s0 =	smul.u32 s5, s0;
	s22 =	ssub.s32 s3, s11;
	p0 =	slt.s32 s21, $0x1  }
0x75: {  	[dreg:$0x7] =	wrdreg s11;
	p1 =	slt.s32 @!p0 s22, $0x1  }
0x76: {  	[dreg:$0x6] =	wrdreg s10;
	s0 =	smul.u32 s1, s0;
	p1 =	por p0, p1  }
.Ltmp3:
0x77: {  	s30 =	simm.s32 $0x1;
	[dreg:$0x11] =	wrdreg s29;
	(pc) =	sbr.rel @p1 .LBB1_14-.Ltmp3, $4  }
0x78: {  	[dreg:$0xf] =	wrdreg s5;
	s1 =	sand.u32 $0x3FFFFFFF, s0;
	s0 =	sand.u32 $0x1, s10  }
0x79: {  	_ =	swait.ge [sflag:s30], s1;
	s31 =	smul.u32 $0x4080, s0  }
0x7a: {  	s1 =	ssub.s32 $0x0, s1;
	[sflag:s30] =	ssyncset.done $0x0  }
0x7b: {  	[sflag:s30] =	ssyncadd.s32 s1;
	[dreg:$0x12] =	wrdreg s31  }
0x7c: {  	s2 =	rddreg [dreg:$0x5]  }
0x7d: {  	s1 =	sadd.s32 $0x80, s2  }
0x7e: {  	p1 =	slt.s32 s1, $0x384  }
.Ltmp4:
0x7f: {  	s1 =	simm.s32 @!p1 $0x384;
	(pc) =	sbr.rel .LBB1_4-.Ltmp4, $4  }
0x80: {  	s25 =	sshll.u32 @!p0 s0, $0xE;
	s0 =	rddreg [dreg:$0x12];
	s1 =	ssub.s32 s1, s2  }
0x81: {  	s28 =	simm.s32 $0x0;
	s26 =	sor.u32 @!p0 $0x8000, s0;
	s1 =	sadd.s32 $0xF, s1  }
0x82: {  	s23 =	sand.u32 $0xFFFFFFF0, s1;
	s24 =	sand.u32 @!p0 $0xFFFFFF00, s1;
	s31 =	sshll.u32 s1, $0x3  }
0x83: {  	p0 =	slt.s32 s1, $0x100;
	s27 =	sand.u32 $0xFFFFF800, s31;
	p1 =	sge.s32 s24, s23  }
.LBB1_13:
0x84: {  	s28 =	sadd.s32 $0x1, s28  }
0x85: {  	p2 =	sne.s32 s28, s21  }
.Ltmp5:
0x86: {  	_ = 	snop;
	(pc) =	sbr.rel @!p2 .LBB1_14-.Ltmp5, $1  }
0x87: {  	_ =	sdelay $0x3  }
.LBB1_4:
.Ltmp6:
0x88: {  	(pc) =	sbr.rel .LBB1_5-.Ltmp6, $4  }
0x89: {  	s1 =	smul.u32 $0x10200, s28  }
0x8a: {  	s0 =	sshll.u32 s28, $0x10  }
0x8b: {  	s31 =	simm.s32 $0x400;
	s0 =	sshra.s32 s0, $0x2;
	s20 =	sshra.s32 s1, $0x2  }
0x8c: {  	s29 =	sadd.s32 s0, s25;
	s0 =	simm.s32 $0x0;
	s30 =	sadd.s32 s20, s26  }
.LBB1_12:
0x8d: {  	s0 =	sadd.s32 $0x1, s0  }
0x8e: {  	p2 =	sne.s32 s0, s22  }
.Ltmp7:
0x8f: {  	_ = 	snop;
	(pc) =	sbr.rel @!p2 .LBB1_13-.Ltmp7, $2  }
0x90: {  	_ =	sdelay $0x2  }
0x91: {  	s31 =	sadd.s32 $0x80, s31  }
.LBB1_5:
.Ltmp8:
0x92: {  	(pc) =	sbr.rel @p0 .LBB1_9-.Ltmp8, $2  }
0x93: {  	_ =	sdelay $0x2  }
0x94: {  	s6 =	sshll.u32 s0, $0x7;
	s1 =	sand.u32 $0x7F, s0  }
0x95: {  	s9 =	sshll.u32 s0, $0x3  }
0x96: {  	s5 =	sand.u32 $0x380, s6;
	s7 =	sshrl.u32 s9, $0x7  }
0x97: {  	s3 =	sadd.s32 $0x800, s9;
	s10 =	sadd.s32 $0x1000, s9;
	s13 =	sadd.s32 s5, s29  }
0x98: {  	s12 =	sadd.s32 $0x1800, s9;
	s17 =	sadd.s32 $0x3000, s9;
	s2 =	sand.u32 $0x78, s7  }
0x99: {  	s3 =	sshrl.u32 s3, $0x7;
	s11 =	sshrl.u32 s10, $0x7;
	s10 =	sshrl.u32 s12, $0x7  }
0x9a: {  	s12 =	sadd.s32 $0x2800, s9;
	s18 =	sshrl.u32 s17, $0x7;
	s9 =	sadd.s32 $0x3800, s9  }
0x9b: {  	s19 =	sadd.s32 $0x10, s7;
	s4 =	smul.u32 $0x204, s2;
	s3 =	sand.u32 $0x78, s3  }
0x9c: {  	s8 =	sadd.s32 $0x20, s7;
	s5 =	sand.u32 $0x78, s11;
	s3 =	smul.u32 $0x204, s3  }
0x9d: {  	v0 =	vmov s13;
	s13 =	sand.u32 $0x3C00, s31;
	s10 =	sand.u32 $0x78, s10;
	s5 =	smul.u32 $0x204, s5  }
0x9e: {  	s2 =	sxor.u32 $0x40, s2;
	s9 =	sshrl.u32 s9, $0x7;
	s10 =	smul.u32 $0x204, s10  }
0x9f: {  	s14 =	smul.u32 $0x204, s2;
	s9 =	sand.u32 $0x78, s9;
	s4 =	sshrl.u32 s4, $0x2  }
0xa0: {  	s16 =	sshrl.u32 s12, $0x7;
	s9 =	smul.u32 $0x204, s9;
	s4 =	sadd.s32 s4, s30  }
0xa1: {  	s3 =	sshrl.u32 s3, $0x2;
	s5 =	sshrl.u32 s5, $0x2;
	s15 =	sshrl.u32 s10, $0x2  }
0xa2: {  	s10 =	sand.u32 $0x78, s16;
	s16 =	sadd.s32 $0x50, s7;
	s11 =	sadd.s32 s3, s30  }
0xa3: {  	s3 =	sadd.s32 s1, s4;
	s5 =	sadd.s32 s5, s30;
	s10 =	smul.u32 $0x204, s10  }
0xa4: {  	s9 =	sshrl.u32 s9, $0x2;
	s12 =	sand.u32 $0x78, s16;
	s4 =	sadd.s32 s1, s11  }
0xa5: {  	s2 =	sadd.s32 s1, s5;
	s5 =	sadd.s32 s15, s30;
	s11 =	sshrl.u32 s14, $0x2  }
0xa6: {  	s14 =	sand.u32 $0x78, s8;
	s11 =	sadd.s32 s11, s30;
	s20 =	sadd.s32 s1, s5  }
0xa7: {  	s10 =	sshrl.u32 s10, $0x2;
	s5 =	sadd.s32 s1, s11;
	s11 =	sand.u32 $0x78, s18  }
0xa8: {  	s9 =	sadd.s32 s9, s30;
	s10 =	sadd.s32 s10, s30;
	s11 =	smul.u32 $0x204, s11  }
0xa9: {  	s12 =	smul.u32 $0x204, s12;
	s18 =	sadd.s32 s1, s10;
	s10 =	sand.u32 $0x78, s19  }
0xaa: {  	s15 =	sadd.s32 $0x30, s7;
	s10 =	smul.u32 $0x204, s10;
	s11 =	sshrl.u32 s11, $0x2  }
0xab: {  	s17 =	sadd.s32 s1, s9;
	s12 =	sshrl.u32 s12, $0x2;
	s11 =	sadd.s32 s11, s30  }
0xac: {  	s10 =	sshrl.u32 s10, $0x2;
	s19 =	sadd.s32 s1, s11;
	s11 =	smul.u32 $0x204, s14  }
0xad: {  	s9 =	sadd.s32 s10, s30;
	s10 =	sand.u32 $0x78, s15;
	s14 =	sadd.s32 $0x60, s7  }
0xae: {  	s7 =	sadd.s32 $0x70, s7;
	s10 =	smul.u32 $0x204, s10;
	s14 =	sand.u32 $0x78, s14  }
0xaf: {  	v1 =	vld.idx.msk [tilespmem:v0+s13+$0x0 ss:$0x1], $0xffff;
	s7 =	sand.u32 $0x78, s7;
	s11 =	sshrl.u32 s11, $0x2;
	s16 =	smul.u32 $0x204, s14  }
0xb0: {  	s7 =	smul.u32 $0x204, s7;
	s10 =	sshrl.u32 s10, $0x2;
	s8 =	sadd.s32 s11, s30  }
0xb1: {  	s11 =	sadd.s32 s1, s9;
	s9 =	sadd.s32 s12, s30;
	s12 =	sadd.s32 $0xFFFFFC00, s31  }
0xb2: {  	s10 =	sadd.s32 s10, s30;
	s14 =	sadd.s32 s1, s8;
	s16 =	sshrl.u32 s16, $0x2  }
0xb3: {  	s7 =	sshrl.u32 s7, $0x2;
	s15 =	sadd.s32 s1, s10;
	s10 =	sadd.s32 s16, s30  }
0xb4: {  	[tilespmem:s3+$0x0 ss:$0x81] =	vst.msk $0xffff, v1;
	v1 =	vld.idx.msk [tilespmem:v0+s13+$0x20 ss:$0x1], $0xffff;
	s8 =	sadd.s32 s7, s30;
	s7 =	sadd.s32 s1, s10;
	s10 =	sand.u32 $0x3C00, s12  }
0xb5: {  	v2 =	vld.idx.msk [tilespmem:v0+s10+$0x70 ss:$0x1], $0xffff  }
0xb6: {  	v3 =	vld.idx.msk [tilespmem:v0+s10+$0x0 ss:$0x1], $0xffff  }
0xb7: {  	v4 =	vld.idx.msk [tilespmem:v0+s10+$0x10 ss:$0x1], $0xffff  }
0xb8: {  	v5 =	vld.idx.msk [tilespmem:v0+s10+$0x20 ss:$0x1], $0xffff  }
0xb9: {  	v6 =	vld.idx.msk [tilespmem:v0+s10+$0x30 ss:$0x1], $0xffff  }
0xba: {  	v7 =	vld.idx.msk [tilespmem:v0+s10+$0x40 ss:$0x1], $0xffff;
	[tilespmem:s17+$0x0 ss:$0x81] =	vst.msk $0xffff, v2  }
0xbb: {  	v8 =	vld.idx.msk [tilespmem:v0+s10+$0x50 ss:$0x1], $0xffff;
	[tilespmem:s3+$0x0 ss:$0x81] =	vst.msk $0xffff, v3  }
0xbc: {  	p2 =	sgt.s32 s24, $0x100;
	v9 =	vld.idx.msk [tilespmem:v0+s10+$0x60 ss:$0x1], $0xffff;
	[tilespmem:s4+$0x0 ss:$0x81] =	vst.msk $0xffff, v4  }
.Ltmp9:
0xbd: {  	v4 =	vld.idx.msk [tilespmem:v0+s13+$0x10 ss:$0x1], $0xffff;
	[tilespmem:s2+$0x0 ss:$0x81] =	vst.msk $0xffff, v5;
	(pc) =	sbr.rel @!p2 .LBB1_8-.Ltmp9, $4  }
0xbe: {  	[tilespmem:s20+$0x0 ss:$0x81] =	vst.msk $0xffff, v6;
	v2 =	vld.idx.msk [tilespmem:v0+s13+$0x30 ss:$0x1], $0xffff  }
0xbf: {  	[tilespmem:s5+$0x0 ss:$0x81] =	vst.msk $0xffff, v7;
	v3 =	vld.idx.msk [tilespmem:v0+s13+$0x40 ss:$0x1], $0xffff  }
0xc0: {  	s16 =	sadd.s32 s1, s9;
	[tilespmem:s18+$0x0 ss:$0x81] =	vst.msk $0xffff, v8;
	v5 =	vld.idx.msk [tilespmem:v0+s13+$0x50 ss:$0x1], $0xffff  }
0xc1: {  	s9 =	sadd.s32 s1, s8;
	s12 =	sadd.s32 $0x800, s31;
	s10 =	simm.s32 $0x100;
	[tilespmem:s19+$0x0 ss:$0x81] =	vst.msk $0xffff, v9;
	v6 =	vld.idx.msk [tilespmem:v0+s13+$0x60 ss:$0x1], $0xffff  }
.LBB1_7:
0xc2: {  	s8 =	sadd.s32 $0xFFFFFC00, s12;
	s10 =	sadd.s32 $0x100, s10;
	[tilespmem:s11+$0x0 ss:$0x81] =	vst.msk $0xffff, v4;
	v4 =	vld.idx.msk [tilespmem:v0+s13+$0x70 ss:$0x1], $0xffff;
	s13 =	sand.u32 $0x3C00, s12  }
0xc3: {  	s8 =	sand.u32 $0x3C00, s8;
	v7 =	vld.idx.msk [tilespmem:v0+s13+$0x0 ss:$0x1], $0xffff;
	p2 =	slt.s32 s10, s24;
	[tilespmem:s14+$0x0 ss:$0x81] =	vst.msk $0xffff, v1  }
0xc4: {  	v1 =	vld.idx.msk [tilespmem:v0+s8+$0x70 ss:$0x1], $0xffff;
	[tilespmem:s15+$0x0 ss:$0x81] =	vst.msk $0xffff, v2  }
0xc5: {  	v2 =	vld.idx.msk [tilespmem:v0+s8+$0x0 ss:$0x1], $0xffff;
	[tilespmem:s5+$0x0 ss:$0x81] =	vst.msk $0xffff, v3  }
0xc6: {  	v3 =	vld.idx.msk [tilespmem:v0+s8+$0x10 ss:$0x1], $0xffff;
	[tilespmem:s16+$0x0 ss:$0x81] =	vst.msk $0xffff, v5  }
0xc7: {  	v5 =	vld.idx.msk [tilespmem:v0+s8+$0x20 ss:$0x1], $0xffff;
	[tilespmem:s7+$0x0 ss:$0x81] =	vst.msk $0xffff, v6  }
0xc8: {  	v6 =	vld.idx.msk [tilespmem:v0+s8+$0x30 ss:$0x1], $0xffff;
	[tilespmem:s9+$0x0 ss:$0x81] =	vst.msk $0xffff, v4  }
0xc9: {  	v8 =	vld.idx.msk [tilespmem:v0+s8+$0x40 ss:$0x1], $0xffff;
	[tilespmem:s3+$0x0 ss:$0x81] =	vst.msk $0xffff, v7  }
0xca: {  	v7 =	vld.idx.msk [tilespmem:v0+s8+$0x50 ss:$0x1], $0xffff;
	[tilespmem:s17+$0x0 ss:$0x81] =	vst.msk $0xffff, v1  }
0xcb: {  	[tilespmem:s3+$0x0 ss:$0x81] =	vst.msk $0xffff, v2;
	v9 =	vld.idx.msk [tilespmem:v0+s8+$0x60 ss:$0x1], $0xffff  }
0xcc: {  	[tilespmem:s4+$0x0 ss:$0x81] =	vst.msk $0xffff, v3;
	v4 =	vld.idx.msk [tilespmem:v0+s13+$0x10 ss:$0x1], $0xffff  }
.Ltmp10:
0xcd: {  	[tilespmem:s2+$0x0 ss:$0x81] =	vst.msk $0xffff, v5;
	v1 =	vld.idx.msk [tilespmem:v0+s13+$0x20 ss:$0x1], $0xffff;
	(pc) =	sbr.rel @p2 .LBB1_7-.Ltmp10, $4  }
0xce: {  	[tilespmem:s20+$0x0 ss:$0x81] =	vst.msk $0xffff, v6;
	v2 =	vld.idx.msk [tilespmem:v0+s13+$0x30 ss:$0x1], $0xffff  }
0xcf: {  	[tilespmem:s5+$0x0 ss:$0x81] =	vst.msk $0xffff, v8;
	v3 =	vld.idx.msk [tilespmem:v0+s13+$0x40 ss:$0x1], $0xffff  }
0xd0: {  	[tilespmem:s18+$0x0 ss:$0x81] =	vst.msk $0xffff, v7;
	v5 =	vld.idx.msk [tilespmem:v0+s13+$0x50 ss:$0x1], $0xffff  }
0xd1: {  	s12 =	sadd.s32 $0x800, s12;
	[tilespmem:s19+$0x0 ss:$0x81] =	vst.msk $0xffff, v9;
	v6 =	vld.idx.msk [tilespmem:v0+s13+$0x60 ss:$0x1], $0xffff  }
.LBB1_8:
0xd2: {  	_ =	sdelay $0x2  }
0xd3: {  	[tilespmem:s11+$0x0 ss:$0x81] =	vst.msk $0xffff, v4  }
0xd4: {  	v0 =	vld.idx.msk [tilespmem:v0+s13+$0x70 ss:$0x1], $0xffff;
	[tilespmem:s14+$0x0 ss:$0x81] =	vst.msk $0xffff, v1  }
0xd5: {  	[tilespmem:s15+$0x0 ss:$0x81] =	vst.msk $0xffff, v2  }
0xd6: {  	[tilespmem:s5+$0x0 ss:$0x81] =	vst.msk $0xffff, v3  }
0xd7: {  	[tilespmem:s16+$0x0 ss:$0x81] =	vst.msk $0xffff, v5  }
0xd8: {  	[tilespmem:s7+$0x0 ss:$0x81] =	vst.msk $0xffff, v6  }
0xd9: {  	[tilespmem:s9+$0x0 ss:$0x81] =	vst.msk $0xffff, v0  }
.LBB1_9:
.Ltmp11:
0xda: {  	(pc) =	sbr.rel @p1 .LBB1_12-.Ltmp11, $1  }
0xdb: {  	_ =	sdelay $0x3  }
0xdc: {  	s3 =	sand.u32 $0x380, s6;
	s2 =	sshrl.u32 s0, $0x4;
	s1 =	sadd.s32 s1, s30  }
0xdd: {  	s4 =	smov.u32 s27;
	s5 =	smov.u32 s24;
	s3 =	sadd.s32 s3, s29  }
.LBB1_11:
0xde: {  	s7 =	sand.u32 $0x3C00, s4  }
0xdf: {  	s7 =	sadd.s32 s6, s7  }
0xe0: {  	s7 =	sand.u32 $0x3C00, s7  }
0xe1: {  	s8 =	sand.u32 $0x70, s5;
	s19 =	sadd.s32 s5, s2;
	s7 =	sadd.s32 s7, s3  }
0xe2: {  	s5 =	sadd.s32 $0x10, s5;
	s20 =	sand.u32 $0x78, s19;
	s7 =	sadd.s32 s8, s7  }
0xe3: {  	p2 =	slt.s32 s5, s23;
	v0 =	vld [tilespmem:s7+$0x0];
	s7 =	smul.u32 $0x204, s20  }
.Ltmp12:
0xe4: {  	_ = 	snop;
	(pc) =	sbr.rel @p2 .LBB1_11-.Ltmp12, $4  }
0xe5: {  	_ = 	snop  }
0xe6: {  	s7 =	sshrl.u32 s7, $0x2  }
0xe7: {  	s7 =	sadd.s32 s7, s1  }
0xe8: {  	s4 =	sadd.s32 $0x80, s4;
	[tilespmem:s7+$0x0 ss:$0x81] =	vst.msk $0xffff, v0  }
.Ltmp13:
0xe9: {  	_ = 	snop;
	(pc) =	sbr.rel .LBB1_12-.Ltmp13, $1  }
0xea: {  	_ =	sdelay $0x3  }
.LBB1_16:
0xeb: {  	_ =	sfence.sel $0x180000  }
0xec: {  	s0 =	simm.s32 $0x1;
	[bflag:$0x0] =	sbarrier.arrive $0xFFFF  }
0xed: {  	s31 =	simm.s32 $0x2;
	[sflag:s0] =	ssyncpa.u1 $0x1  }
0xee: {  	[sflag:s31] =	ssyncpa.u1 $0x1  }
0xef: {  	_ =	strace $0x90000047  }
0xf0: {  	[bflag:$0x2] =	sbarrier.arrive $0xFFFF  }
0xf1: {  	p0 =	sne.s32 s6, $0x0;
	s0 =	rddreg [dreg:$0x1]  }
0xf2: {  	s0 =	sadd.s32 @!p0 $0x100000, s0  }
0xf3: {  	[sflag:s0] =	ssyncadd.tile.s32 @!p0 $0x1;
	_ =	shalt  }
.Lfunc_end1:
_tile_overlayer_lowered:
.L_overlay_start_2:
0xf4: {  	(tag) =	ssettag $0x2  }
0xf5: {  	s0 =	rddreg [dreg:$0x0];
	s2 =	stileid.u32  }
0xf6: {  	s1 =	rddreg [dreg:$0x1];
	p0 =	sne.s32 s2, $0x0  }
0xf7: {  	s3 =	rddreg [dreg:$0x2];
	[bflag:$0x3] =	sbarrier.arrive $0xFFFF;
	s2 =	simm.s32 @!p0 $0x1C01  }
0xf8: {  	[timem:s3], [sflag:s2] =	dma.local @!p0 [hbm:s0], s1  }
0xf9: {  	s0 =	simm.s32 @!p0 $0x1  }
0xfa: {  	_ =	swait.ge @!p0 [sflag:s0], s1  }
0xfb: {  	s1 =	ssub.s32 @!p0 $0x0, s1;
	[sflag:s0] =	ssyncset.done @!p0 $0x0  }
0xfc: {  	[sflag:s0] =	ssyncadd.s32 @!p0 s1  }
0xfd: {  	[bflag:$0x3] =	sbarrier.arrive $0xFFFF  }
0xfe: {  	_ =	shalt  }

</sc_bundles>
